<compile_context>
chip_gen: v7x
topology: tpu7x:2x2x1
jax: 0.10.2.dev20260603
libtpu: 0.0.44.dev20260713+nightly
codegen_flags: <defaults>
</compile_context>

<pallas_src>
import functools

import jax
import jax.numpy as jnp
from jax import lax
from jax.experimental import pallas as pl
from jax.experimental.pallas import tpu as pltpu
from jax.experimental.pallas import tpu_sc as plsc

N = 10000
E = 160000
B = 256
NP = 10240
NW = 32
EPW = E // NW
CH = 40
NA = 10112
F32 = jnp.float32

_mesh = plsc.VectorSubcoreMesh(core_axis_name="c", subcore_axis_name="s")


@functools.partial(
    pl.kernel, mesh=_mesh,
    out_type=jax.ShapeDtypeStruct((2, NP), F32),
    scratch_types=[
        pltpu.VMEM((CH, 128), jnp.int32),
        pltpu.VMEM((128,), F32),
        pltpu.VMEM_SHARED((NP,), F32),
        pltpu.SemaphoreType.DMA,
    ],
)
def _sc_deg(dst_hbm, ones_hbm, out_hbm, idx_v, ones_v, acc, sem):
    c = lax.axis_index("c")
    s = lax.axis_index("s")
    w = s * 2 + c
    pltpu.sync_copy(dst_hbm.at[w], idx_v)
    pltpu.sync_copy(ones_hbm.at[pl.ds(0, 128)], ones_v)
    pltpu.sync_copy(ones_hbm.at[pl.ds(s * 640, 640)], acc.at[pl.ds(s * 640, 640)])
    plsc.subcore_barrier()

    def body(j, carry):
        pltpu.sync_copy(ones_v, acc.at[idx_v.at[j]], add=True)
        return carry

    lax.fori_loop(0, CH, body, 0)
    plsc.subcore_barrier()
    pltpu.sync_copy(acc.at[pl.ds(s * 640, 640)], out_hbm.at[c, pl.ds(s * 640, 640)])


@functools.partial(
    pl.kernel, mesh=_mesh,
    out_type=jax.ShapeDtypeStruct((2, NA, 128), F32),
    scratch_types=[
        pltpu.VMEM((2 * CH + 2, 128), jnp.int32),
        pltpu.VMEM((CH, 128), jnp.int32),
        pltpu.VMEM((128, 128), F32),
        pltpu.VMEM((128, 128), F32),
        pltpu.VMEM_SHARED((NA, 128), F32),
        pltpu.SemaphoreType.DMA,
        pltpu.SemaphoreType.DMA,
    ],
)
def _sc_agg(src_hbm, dst_hbm, tab_hbm, out_hbm,
            src_v, dst_v, rows0, rows1, acc, sem0, sem1):
    c = lax.axis_index("c")
    s = lax.axis_index("s")
    pltpu.sync_copy(src_hbm.at[c, s], src_v)
    pltpu.sync_copy(dst_hbm.at[s, pl.ds(0, CH)], dst_v)
    pltpu.sync_copy(tab_hbm.at[pl.ds(c * NP + s * 632, 632)],
                    acc.at[pl.ds(s * 632, 632)])
    plsc.subcore_barrier()

    pltpu.async_copy(tab_hbm.at[src_v.at[0]], rows0, sem0)
    pltpu.async_copy(tab_hbm.at[src_v.at[1]], rows1, sem1)

    def mk_body(off):
        def body(j, carry):
            je = 2 * j
            pltpu.make_async_copy(tab_hbm.at[src_v.at[je]], rows0, sem0).wait()
            pltpu.sync_copy(rows0, acc.at[dst_v.at[je - off]], add=True)
            pltpu.async_copy(tab_hbm.at[src_v.at[je + 2]], rows0, sem0)
            jo = je + 1
            pltpu.make_async_copy(tab_hbm.at[src_v.at[jo]], rows1, sem1).wait()
            pltpu.sync_copy(rows1, acc.at[dst_v.at[jo - off]], add=True)
            pltpu.async_copy(tab_hbm.at[src_v.at[jo + 2]], rows1, sem1)
            return carry
        return body

    lax.fori_loop(0, CH // 2, mk_body(0), 0)
    pltpu.sync_copy(dst_hbm.at[s, pl.ds(CH, CH)], dst_v)
    lax.fori_loop(CH // 2, CH, mk_body(CH), 0)
    pltpu.make_async_copy(tab_hbm.at[src_v.at[2 * CH]], rows0, sem0).wait()
    pltpu.make_async_copy(tab_hbm.at[src_v.at[2 * CH + 1]], rows1, sem1).wait()
    plsc.subcore_barrier()
    pltpu.sync_copy(acc.at[pl.ds(s * 632, 632)], out_hbm.at[c, pl.ds(s * 632, 632)])


def _tc_b_body(p_ref, x_ref, w_ref, u_ref, d_ref):
    deg = p_ref[0] + p_ref[1] - 1.0
    dinv = lax.rsqrt(jnp.maximum(deg, 1e-12))[:, None]
    u = jnp.dot(x_ref[...], w_ref[...], preferred_element_type=F32) * dinv
    u_ref[0] = u[:, 0:128]
    u_ref[1] = u[:, 128:256]
    d_ref[...] = jnp.broadcast_to(dinv[0:NA], (NA, 8))


def _tc_b(p, x_pad, gW1):
    return pl.pallas_call(
        _tc_b_body,
        out_shape=(jax.ShapeDtypeStruct((2, NP, 128), F32),
                   jax.ShapeDtypeStruct((NA, 8), F32)),
    )(p, x_pad, gW1)


def _tc_d_body(a_ref, d_ref, b_ref, w_ref, v_ref):
    dinv = d_ref[:, 0:1]
    pre = jnp.concatenate([a_ref[0], a_ref[1]], axis=1) * dinv
    h1 = jax.nn.relu(pre + b_ref[...])
    v = jnp.dot(h1, w_ref[...], preferred_element_type=F32) * dinv
    v_ref[0] = jnp.pad(v[0:N, 0:128], ((0, NP - N), (0, 0)))
    v_ref[1] = jnp.pad(v[0:N, 128:256], ((0, NP - N), (0, 0)))


def _tc_d(agg1, dinv8, gb1, gW2):
    return pl.pallas_call(
        _tc_d_body,
        out_shape=jax.ShapeDtypeStruct((2, NP, 128), F32),
    )(agg1, dinv8, gb1, gW2)


def _tc_f_body(a_ref, d_ref, cb_ref, drug_ref,
               gb2_ref, cW1_ref, cb1_ref, cW2_ref, cb2_ref,
               dW1_ref, db1_ref, dW2_ref, db2_ref,
               fW1_ref, fb1_ref, fW2_ref, fb2_ref, fW3_ref, fb3_ref,
               o_ref, pooled, cnt):
    i = pl.program_id(0)
    dinv = d_ref[:, 0:1]
    pre = jnp.concatenate([a_ref[0], a_ref[1]], axis=1) * dinv
    h2 = jax.nn.relu(pre + gb2_ref[...])
    batch = cb_ref[0, 0, :]
    oh = (batch[None, :] ==
          lax.broadcasted_iota(jnp.int32, (B, 1264), 0)).astype(F32)

    @pl.when(i == 0)
    def _init():
        pooled[...] = jnp.zeros((B, B), F32)
        cnt[...] = jnp.zeros((B, 128), F32)

    pooled[...] += jnp.dot(oh, h2, preferred_element_type=F32)
    cnt[...] += jnp.broadcast_to(jnp.sum(oh, axis=1)[:, None], (B, 128))

    @pl.when(i == (NA // 1264) - 1)
    def _heads():
        pool = pooled[...] / jnp.maximum(cnt[..., 0:1], 1.0)
        cell = jax.nn.relu(jnp.dot(pool, cW1_ref[...],
                                   preferred_element_type=F32) + cb1_ref[...])
        cell = jax.nn.relu(jnp.dot(cell, cW2_ref[...],
                                   preferred_element_type=F32) + cb2_ref[...])
        dr = jax.nn.relu(jnp.dot(drug_ref[...], dW1_ref[...],
                                 preferred_element_type=F32) + db1_ref[...])
        dr = jax.nn.relu(jnp.dot(dr, dW2_ref[...],
                                 preferred_element_type=F32) + db2_ref[...])
        flat = jnp.concatenate([cell, dr], axis=1)
        y = jax.nn.relu(jnp.dot(flat, fW1_ref[...],
                                preferred_element_type=F32) + fb1_ref[...])
        y = jax.nn.relu(jnp.dot(y, fW2_ref[...],
                                preferred_element_type=F32) + fb2_ref[...])
        o_ref[...] = jnp.dot(y, fW3_ref[...],
                             preferred_element_type=F32) + fb3_ref[...]


def _tc_f(agg2, dinv8, cbb, drug2, gb2, cW1, cb1, cW2, cb2,
          dW1, db1, dW2, db2, fW1, fb1, fW2, fb2, fW3, fb3):
    nblk = NA // 1264
    full = lambda shape: pl.BlockSpec(shape, lambda i: (0,) * len(shape))
    return pl.pallas_call(
        _tc_f_body,
        grid=(nblk,),
        in_specs=[
            pl.BlockSpec((2, 1264, 128), lambda i: (0, i, 0)),
            pl.BlockSpec((1264, 8), lambda i: (i, 0)),
            pl.BlockSpec((1, 1, 1264), lambda i: (i, 0, 0)),
            full((B, 256)),
            full((1, 256)),
            full((256, 128)), full((1, 128)),
            full((128, 128)), full((1, 128)),
            full((256, 128)), full((1, 128)),
            full((128, 128)), full((1, 128)),
            full((256, 128)), full((1, 128)),
            full((128, 64)), full((1, 64)),
            full((64, 1)), full((1, 1)),
        ],
        out_specs=pl.BlockSpec((B, 1), lambda i: (0, 0)),
        out_shape=jax.ShapeDtypeStruct((B, 1), F32),
        scratch_shapes=[pltpu.VMEM((B, B), F32), pltpu.VMEM((B, 128), F32)],
    )(agg2, dinv8, cbb, drug2, gb2, cW1, cb1, cW2, cb2,
      dW1, db1, dW2, db2, fW1, fb1, fW2, fb2, fW3, fb3)


def kernel(cell_x, cell_edge_index, cell_batch, drug,
           dW1, db1, dW2, db2, gW1, gb1, gW2, gb2,
           cW1, cb1, cW2, cb2, fW1, fb1, fW2, fb2, fW3, fb3):
    src = cell_edge_index[0].astype(jnp.int32)
    dst = cell_edge_index[1].astype(jnp.int32)

    padk = 10000 + (jnp.arange(120, dtype=jnp.int32) % 16)
    pad_blk = jnp.broadcast_to(padk, (NW, 120))
    srcw = jnp.concatenate([src.reshape(NW, EPW), pad_blk], axis=1)
    dstw = jnp.concatenate([dst.reshape(NW, EPW), pad_blk], axis=1)
    dstw = dstw.reshape(NW, CH, 128)
    dummy = jnp.broadcast_to(
        10000 + (jnp.arange(128, dtype=jnp.int32) % 16), (16, 2, 128))
    src_e = (jnp.concatenate([srcw.reshape(16, 2 * CH, 128), dummy], axis=1)[None]
             + jnp.array([0, NP], jnp.int32).reshape(2, 1, 1, 1))
    padk0 = jnp.broadcast_to(jnp.arange(120, dtype=jnp.int32) % 16, (NW, 120))
    dst_e = jnp.concatenate([dst.reshape(NW, EPW), padk0],
                            axis=1).reshape(16, 2 * CH, 128)

    ones_n = jnp.ones((NP,), F32)
    x_pad = jnp.pad(cell_x.astype(F32), ((0, NP - N), (0, 0)))
    cbb = jnp.pad(cell_batch.astype(jnp.int32), (0, NA - N),
                  constant_values=2 * B).reshape(NA // 1264, 1, 1264)
    drug2 = drug.reshape(B, 256)
    r1 = lambda v: v.reshape(1, -1)

    p_deg = _sc_deg(dstw, ones_n)
    u_flat, dinv8 = _tc_b(p_deg, x_pad, gW1)
    agg1 = _sc_agg(src_e, dst_e, u_flat.reshape(2 * NP, 128))
    v_flat = _tc_d(agg1, dinv8, r1(gb1), gW2)
    agg2 = _sc_agg(src_e, dst_e, v_flat.reshape(2 * NP, 128))
    y = _tc_f(agg2, dinv8, cbb, drug2, r1(gb2), cW1, r1(cb1), cW2, r1(cb2),
              dW1, r1(db1), dW2, r1(db2), fW1, r1(fb1), fW2, r1(fb2),
              fW3, r1(fb3))
    return y.reshape(B)

# --- scband reference (transcript-rebuilt; emitter-appended) ---
"""Pipeline reference for scband-graph-tab-v1-43164421325452 (READ-ONLY COPY).

The authoritative reference and input builder live on the scoring server;
editing this copy changes nothing except your own understanding.
"""

import jax, jax.numpy as jnp
import numpy as np

N, E, B = 10000, 160000, 256

def _p(key, shape, fanin):
    return jax.random.normal(key, shape, dtype=jnp.float32) / np.sqrt(fanin)

def setup_inputs(seed: int = 0) -> dict:
    key = jax.random.key(seed)
    ks = jax.random.split(key, 24)
    inp = {}
    inp['cell_x'] = jax.random.normal(ks[0], (N, 4), dtype=jnp.float32)
    inp['cell_edge_index'] = jax.random.randint(ks[1], (2, E), 0, N)
    inp['cell_batch'] = jnp.sort(jax.random.randint(ks[2], (N,), 0, B))
    inp['drug'] = jax.random.normal(ks[3], (B, 1, 256), dtype=jnp.float32)
    # drug_nn: Linear(256,128), Linear(128,128)
    inp['dW1'] = _p(ks[4], (256, 128), 256); inp['db1'] = jnp.zeros((128,), jnp.float32)
    inp['dW2'] = _p(ks[5], (128, 128), 128); inp['db2'] = jnp.zeros((128,), jnp.float32)
    # GCNConv(4,256), GCNConv(256,256)
    inp['gW1'] = _p(ks[6], (4, 256), 4); inp['gb1'] = jnp.zeros((256,), jnp.float32)
    inp['gW2'] = _p(ks[7], (256, 256), 256); inp['gb2'] = jnp.zeros((256,), jnp.float32)
    # cell post-pool MLP: Linear(256,128), Linear(128,128)
    inp['cW1'] = _p(ks[8], (256, 128), 256); inp['cb1'] = jnp.zeros((128,), jnp.float32)
    inp['cW2'] = _p(ks[9], (128, 128), 128); inp['cb2'] = jnp.zeros((128,), jnp.float32)
    # fcn: Linear(256,128), Linear(128,64), Linear(64,1)
    inp['fW1'] = _p(ks[10], (256, 128), 256); inp['fb1'] = jnp.zeros((128,), jnp.float32)
    inp['fW2'] = _p(ks[11], (128, 64), 128); inp['fb2'] = jnp.zeros((64,), jnp.float32)
    inp['fW3'] = _p(ks[12], (64, 1), 64); inp['fb3'] = jnp.zeros((1,), jnp.float32)
    return inp

def _gcn(x, edge_index, W, b):
    n = x.shape[0]
    xw = x @ W
    loops = jnp.arange(n, dtype=edge_index.dtype)
    src = jnp.concatenate([edge_index[0], loops])
    dst = jnp.concatenate([edge_index[1], loops])
    deg = jax.ops.segment_sum(jnp.ones_like(dst, dtype=xw.dtype), dst, num_segments=n)
    dinv = jax.lax.rsqrt(jnp.maximum(deg, 1e-12))
    norm = dinv[src] * dinv[dst]
    msg = xw[src] * norm[:, None]
    return jax.ops.segment_sum(msg, dst, num_segments=n) + b

def reference(cell_x, cell_edge_index, cell_batch, drug,
              dW1, db1, dW2, db2, gW1, gb1, gW2, gb2,
              cW1, cb1, cW2, cb2, fW1, fb1, fW2, fb2, fW3, fb3):
    # drug branch
    drug_emb = jax.nn.relu(jax.nn.relu(drug @ dW1 + db1) @ dW2 + db2)  # [B,1,128]
    # cell graph branch
    h = jax.nn.relu(_gcn(cell_x, cell_edge_index, gW1, gb1))
    h = jax.nn.relu(_gcn(h, cell_edge_index, gW2, gb2))
    counts = jax.ops.segment_sum(jnp.ones((h.shape[0],), h.dtype), cell_batch, num_segments=B)
    pooled = jax.ops.segment_sum(h, cell_batch, num_segments=B) / jnp.maximum(counts, 1.0)[:, None]
    cell_emb = jax.nn.relu(jax.nn.relu(pooled @ cW1 + cb1) @ cW2 + cb2)  # [B,128]
    concat = jnp.concatenate([cell_emb[:, None, :], drug_emb], axis=1)  # [B,2,128]
    flat = concat.reshape(concat.shape[0], concat.shape[1] * concat.shape[2])  # [B,256]
    y = jax.nn.relu(flat @ fW1 + fb1)
    y = jax.nn.relu(y @ fW2 + fb2)
    y = y @ fW3 + fb3
    return y.reshape(y.shape[0])

if __name__ == "__main__":
    import jax
    _d = setup_inputs()
    print(jax.jit(kernel)(*tuple(_d.values())))

</pallas_src>

<mosaic_0001>
#map = affine_map<(d0, d1) -> (0, 0, 0, 0)>
#map1 = affine_map<(d0, d1) -> (0, 0, 0)>
#map2 = affine_map<(d0, d1) -> (0, 0)>
module attributes {stable_mosaic.version = 14 : i64} {
  func.func @_sc_agg(%arg0: i32, %arg1: i32, %arg2: memref<2x16x82x128xi32, #tpu.memory_space<hbm>>, %arg3: memref<16x80x128xi32, #tpu.memory_space<hbm>>, %arg4: memref<20480x128xf32, #tpu.memory_space<hbm>>, %arg5: memref<2x10112x128xf32, #tpu.memory_space<hbm>>, %arg6: memref<82x128xi32, #tpu.memory_space<vmem>>, %arg7: memref<40x128xi32, #tpu.memory_space<vmem>>, %arg8: memref<128x128xf32, #tpu.memory_space<vmem>>, %arg9: memref<128x128xf32, #tpu.memory_space<vmem>>, %arg10: memref<10112x128xf32, #tpu.memory_space<vmem_shared>>, %arg11: memref<!tpu.dma_semaphore, #tpu.memory_space<semaphore_mem>>, %arg12: memref<!tpu.dma_semaphore, #tpu.memory_space<semaphore_mem>>) attributes {dimension_semantics = [#tpu.dimension_semantics<core_parallel>, #tpu.dimension_semantics<subcore_parallel>], iteration_bounds = array<i64: 2, 16>, scalar_prefetch = 0 : i64, scratch_operands = 7 : i64, tpu.core_type = #tpu.core_type<sc_vector_subcore>, window_params = [{transform_indices = #map}, {transform_indices = #map1}, {transform_indices = #map2}, {transform_indices = #map1}]} {
    "tpu.region"() ({
      %run_scoped3A = tpu.sem_alloc : memref<!tpu.dma_semaphore, #tpu.memory_space<semaphore_mem>>
      %dma_start3A_47 = arith.constant 0 : i32
      %dma_start3A_48 = arith.constant 0 : i32
      %dma_start3A_49 = tpu.memref_slice %arg2[%arg0, %arg1, %dma_start3A_47, %dma_start3A_48] : memref<2x16x82x128xi32, #tpu.memory_space<hbm>> -> memref<1x1x82x128xi32, #tpu.memory_space<hbm>>
      %dma_start3A_50 = tpu.memref_squeeze %dma_start3A_49 : memref<1x1x82x128xi32, #tpu.memory_space<hbm>> -> memref<82x128xi32, #tpu.memory_space<hbm>>
      %dma_start3A_51 = arith.constant 0 : i32
      %dma_start3A_52 = arith.constant 0 : i32
      %dma_start3A_53 = tpu.memref_slice %arg2[%arg0, %arg1, %dma_start3A_51, %dma_start3A_52] : memref<2x16x82x128xi32, #tpu.memory_space<hbm>> -> memref<1x1x82x128xi32, #tpu.memory_space<hbm>>
      %dma_start3A_54 = tpu.memref_squeeze %dma_start3A_53 : memref<1x1x82x128xi32, #tpu.memory_space<hbm>> -> memref<82x128xi32, #tpu.memory_space<hbm>>
      tpu.enqueue_dma source(%dma_start3A_54 : memref<82x128xi32, #tpu.memory_space<hbm>>) target(%arg6 : memref<82x128xi32, #tpu.memory_space<vmem>>) target_semaphore(%run_scoped3A : memref<!tpu.dma_semaphore, #tpu.memory_space<semaphore_mem>>)
      %dma_wait3A_55 = arith.constant 0 : i32
      %dma_wait3A_56 = arith.constant 0 : i32
      %dma_wait3A_57 = tpu.memref_slice %arg2[%arg0, %arg1, %dma_wait3A_55, %dma_wait3A_56] : memref<2x16x82x128xi32, #tpu.memory_space<hbm>> -> memref<1x1x82x128xi32, #tpu.memory_space<hbm>>
      %dma_wait3A_58 = tpu.memref_squeeze %dma_wait3A_57 : memref<1x1x82x128xi32, #tpu.memory_space<hbm>> -> memref<82x128xi32, #tpu.memory_space<hbm>>
      %dma_wait3A_59 = arith.constant 0 : i32
      %dma_wait3A_60 = arith.constant 0 : i32
      %dma_wait3A_61 = tpu.memref_slice %arg2[%arg0, %arg1, %dma_wait3A_59, %dma_wait3A_60] : memref<2x16x82x128xi32, #tpu.memory_space<hbm>> -> memref<1x1x82x128xi32, #tpu.memory_space<hbm>>
      %dma_wait3A_62 = tpu.memref_squeeze %dma_wait3A_61 : memref<1x1x82x128xi32, #tpu.memory_space<hbm>> -> memref<82x128xi32, #tpu.memory_space<hbm>>
      tpu.wait_dma2 semaphore(%run_scoped3A : memref<!tpu.dma_semaphore, #tpu.memory_space<semaphore_mem>>) src(%dma_wait3A_62 : memref<82x128xi32, #tpu.memory_space<hbm>>) dst(%arg6 : memref<82x128xi32, #tpu.memory_space<vmem>>)
      tpu.yield
    }) : () -> ()
    "tpu.region"() ({
      %run_scoped3A = tpu.sem_alloc : memref<!tpu.dma_semaphore, #tpu.memory_space<semaphore_mem>>
      %dma_start3A_47 = arith.constant 0 : i32
      %dma_start3A_48 = arith.constant 0 : i32
      %dma_start3A_49 = tpu.memref_slice %arg3[%arg1, %dma_start3A_47, %dma_start3A_48] : memref<16x80x128xi32, #tpu.memory_space<hbm>> -> memref<1x40x128xi32, #tpu.memory_space<hbm>>
      %dma_start3A_50 = tpu.memref_squeeze %dma_start3A_49 : memref<1x40x128xi32, #tpu.memory_space<hbm>> -> memref<40x128xi32, #tpu.memory_space<hbm>>
      %dma_start3A_51 = arith.constant 0 : i32
      %dma_start3A_52 = arith.constant 0 : i32
      %dma_start3A_53 = tpu.memref_slice %arg3[%arg1, %dma_start3A_51, %dma_start3A_52] : memref<16x80x128xi32, #tpu.memory_space<hbm>> -> memref<1x40x128xi32, #tpu.memory_space<hbm>>
      %dma_start3A_54 = tpu.memref_squeeze %dma_start3A_53 : memref<1x40x128xi32, #tpu.memory_space<hbm>> -> memref<40x128xi32, #tpu.memory_space<hbm>>
      tpu.enqueue_dma source(%dma_start3A_54 : memref<40x128xi32, #tpu.memory_space<hbm>>) target(%arg7 : memref<40x128xi32, #tpu.memory_space<vmem>>) target_semaphore(%run_scoped3A : memref<!tpu.dma_semaphore, #tpu.memory_space<semaphore_mem>>)
      %dma_wait3A_55 = arith.constant 0 : i32
      %dma_wait3A_56 = arith.constant 0 : i32
      %dma_wait3A_57 = tpu.memref_slice %arg3[%arg1, %dma_wait3A_55, %dma_wait3A_56] : memref<16x80x128xi32, #tpu.memory_space<hbm>> -> memref<1x40x128xi32, #tpu.memory_space<hbm>>
      %dma_wait3A_58 = tpu.memref_squeeze %dma_wait3A_57 : memref<1x40x128xi32, #tpu.memory_space<hbm>> -> memref<40x128xi32, #tpu.memory_space<hbm>>
      %dma_wait3A_59 = arith.constant 0 : i32
      %dma_wait3A_60 = arith.constant 0 : i32
      %dma_wait3A_61 = tpu.memref_slice %arg3[%arg1, %dma_wait3A_59, %dma_wait3A_60] : memref<16x80x128xi32, #tpu.memory_space<hbm>> -> memref<1x40x128xi32, #tpu.memory_space<hbm>>
      %dma_wait3A_62 = tpu.memref_squeeze %dma_wait3A_61 : memref<1x40x128xi32, #tpu.memory_space<hbm>> -> memref<40x128xi32, #tpu.memory_space<hbm>>
      tpu.wait_dma2 semaphore(%run_scoped3A : memref<!tpu.dma_semaphore, #tpu.memory_space<semaphore_mem>>) src(%dma_wait3A_62 : memref<40x128xi32, #tpu.memory_space<hbm>>) dst(%arg7 : memref<40x128xi32, #tpu.memory_space<vmem>>)
      tpu.yield
    }) : () -> ()
    %mul3A = arith.constant 10240 : i32
    %mul3A_0 = arith.muli %arg0, %mul3A : i32
    %mul3A_1 = arith.constant 632 : i32
    %mul3A_2 = arith.muli %arg1, %mul3A_1 : i32
    %add3A = arith.addi %mul3A_0, %mul3A_2 : i32
    %mul3A_3 = arith.constant 632 : i32
    %mul3A_4 = arith.muli %arg1, %mul3A_3 : i32
    "tpu.region"() ({
      %run_scoped3A = tpu.sem_alloc : memref<!tpu.dma_semaphore, #tpu.memory_space<semaphore_mem>>
      %dma_start3A_47 = arith.constant 0 : i32
      %dma_start3A_48 = tpu.memref_slice %arg10[%mul3A_4, %dma_start3A_47] : memref<10112x128xf32, #tpu.memory_space<vmem_shared>> -> memref<632x128xf32, #tpu.memory_space<vmem_shared>>
      %dma_start3A_49 = arith.constant 0 : i32
      %dma_start3A_50 = tpu.memref_slice %arg4[%add3A, %dma_start3A_49] : memref<20480x128xf32, #tpu.memory_space<hbm>> -> memref<632x128xf32, #tpu.memory_space<hbm>>
      tpu.enqueue_dma source(%dma_start3A_50 : memref<632x128xf32, #tpu.memory_space<hbm>>) target(%dma_start3A_48 : memref<632x128xf32, #tpu.memory_space<vmem_shared>>) target_semaphore(%run_scoped3A : memref<!tpu.dma_semaphore, #tpu.memory_space<semaphore_mem>>)
      %dma_wait3A_51 = arith.constant 0 : i32
      %dma_wait3A_52 = tpu.memref_slice %arg10[%mul3A_4, %dma_wait3A_51] : memref<10112x128xf32, #tpu.memory_space<vmem_shared>> -> memref<632x128xf32, #tpu.memory_space<vmem_shared>>
      %dma_wait3A_53 = arith.constant 0 : i32
      %dma_wait3A_54 = tpu.memref_slice %arg4[%add3A, %dma_wait3A_53] : memref<20480x128xf32, #tpu.memory_space<hbm>> -> memref<632x128xf32, #tpu.memory_space<hbm>>
      tpu.wait_dma2 semaphore(%run_scoped3A : memref<!tpu.dma_semaphore, #tpu.memory_space<semaphore_mem>>) src(%dma_wait3A_54 : memref<632x128xf32, #tpu.memory_space<hbm>>) dst(%dma_wait3A_52 : memref<632x128xf32, #tpu.memory_space<vmem_shared>>)
      tpu.yield
    }) : () -> ()
    %barrier3A = arith.constant 0 : index
    tpu.barrier barrier_id(%barrier3A)
    %dma_start3A = arith.constant 0 : i32
    %dma_start3A_5 = arith.constant 0 : i32
    %dma_start3A_6 = tpu.memref_slice %arg6[%dma_start3A, %dma_start3A_5] : memref<82x128xi32, #tpu.memory_space<vmem>> -> memref<1x128xi32, #tpu.memory_space<vmem>>
    %dma_start3A_7 = tpu.memref_squeeze %dma_start3A_6 : memref<1x128xi32, #tpu.memory_space<vmem>> -> memref<128xi32, #tpu.memory_space<vmem>>
    %dma_start3A_8 = arith.constant 0 : i32
    %dma_start3A_9 = arith.constant 0 : i32
    %dma_start3A_10 = tpu.memref_slice %arg4[%dma_start3A_8, %dma_start3A_9] : memref<20480x128xf32, #tpu.memory_space<hbm>> -> memref<20480x128xf32, #tpu.memory_space<hbm>>
    tpu.enqueue_indirect_dma source(%dma_start3A_10 : memref<20480x128xf32, #tpu.memory_space<hbm>>) target(%arg8 : memref<128x128xf32, #tpu.memory_space<vmem>>) offsets(%dma_start3A_7 : memref<128xi32, #tpu.memory_space<vmem>>) semaphore(%arg11 : memref<!tpu.dma_semaphore, #tpu.memory_space<semaphore_mem>>)
    %dma_start3A_11 = arith.constant 1 : i32
    %dma_start3A_12 = arith.constant 0 : i32
    %dma_start3A_13 = tpu.memref_slice %arg6[%dma_start3A_11, %dma_start3A_12] : memref<82x128xi32, #tpu.memory_space<vmem>> -> memref<1x128xi32, #tpu.memory_space<vmem>>
    %dma_start3A_14 = tpu.memref_squeeze %dma_start3A_13 : memref<1x128xi32, #tpu.memory_space<vmem>> -> memref<128xi32, #tpu.memory_space<vmem>>
    %dma_start3A_15 = arith.constant 0 : i32
    %dma_start3A_16 = arith.constant 0 : i32
    %dma_start3A_17 = tpu.memref_slice %arg4[%dma_start3A_15, %dma_start3A_16] : memref<20480x128xf32, #tpu.memory_space<hbm>> -> memref<20480x128xf32, #tpu.memory_space<hbm>>
    tpu.enqueue_indirect_dma source(%dma_start3A_17 : memref<20480x128xf32, #tpu.memory_space<hbm>>) target(%arg9 : memref<128x128xf32, #tpu.memory_space<vmem>>) offsets(%dma_start3A_14 : memref<128xi32, #tpu.memory_space<vmem>>) semaphore(%arg12 : memref<!tpu.dma_semaphore, #tpu.memory_space<semaphore_mem>>)
    %scan3A = arith.constant 0 : i32
    %scan3A_18 = arith.constant 0 : i32
    %scan3A_19 = arith.constant 20 : i32
    %scan3A_20 = arith.addi %scan3A_18, %scan3A_19 : i32
    %scan3A_21 = arith.constant 1 : i32
    scf.for %scan3A_47 = %scan3A_18 to %scan3A_20 step %scan3A_21  : i32 {
      %mul3A_48 = arith.constant 2 : i32
      %mul3A_49 = arith.muli %mul3A_48, %scan3A_47 : i32
      %dma_wait3A_50 = arith.constant 0 : i32
      %dma_wait3A_51 = tpu.memref_slice %arg6[%mul3A_49, %dma_wait3A_50] : memref<82x128xi32, #tpu.memory_space<vmem>> -> memref<1x128xi32, #tpu.memory_space<vmem>>
      %dma_wait3A_52 = tpu.memref_squeeze %dma_wait3A_51 : memref<1x128xi32, #tpu.memory_space<vmem>> -> memref<128xi32, #tpu.memory_space<vmem>>
      %dma_wait3A_53 = arith.constant 0 : i32
      %dma_wait3A_54 = arith.constant 0 : i32
      %dma_wait3A_55 = tpu.memref_slice %arg4[%dma_wait3A_53, %dma_wait3A_54] : memref<20480x128xf32, #tpu.memory_space<hbm>> -> memref<20480x128xf32, #tpu.memory_space<hbm>>
      tpu.wait_indirect_dma semaphore(%arg11 : memref<!tpu.dma_semaphore, #tpu.memory_space<semaphore_mem>>) src(%dma_wait3A_55 : memref<20480x128xf32, #tpu.memory_space<hbm>>) dst(%arg8 : memref<128x128xf32, #tpu.memory_space<vmem>>)
      %sub3A = arith.constant 0 : i32
      %sub3A_56 = arith.subi %mul3A_49, %sub3A : i32
      "tpu.region"() ({
        %run_scoped3A = tpu.sem_alloc : memref<!tpu.dma_semaphore, #tpu.memory_space<semaphore_mem>>
        %dma_start3A_83 = arith.constant 0 : i32
        %dma_start3A_84 = tpu.memref_slice %arg7[%sub3A_56, %dma_start3A_83] : memref<40x128xi32, #tpu.memory_space<vmem>> -> memref<1x128xi32, #tpu.memory_space<vmem>>
        %dma_start3A_85 = tpu.memref_squeeze %dma_start3A_84 : memref<1x128xi32, #tpu.memory_space<vmem>> -> memref<128xi32, #tpu.memory_space<vmem>>
        %dma_start3A_86 = arith.constant 0 : i32
        %dma_start3A_87 = arith.constant 0 : i32
        %dma_start3A_88 = tpu.memref_slice %arg10[%dma_start3A_86, %dma_start3A_87] : memref<10112x128xf32, #tpu.memory_space<vmem_shared>> -> memref<10112x128xf32, #tpu.memory_space<vmem_shared>>
        tpu.enqueue_indirect_dma source(%arg8 : memref<128x128xf32, #tpu.memory_space<vmem>>) target(%dma_start3A_88 : memref<10112x128xf32, #tpu.memory_space<vmem_shared>>) offsets(%dma_start3A_85 : memref<128xi32, #tpu.memory_space<vmem>>) semaphore(%run_scoped3A : memref<!tpu.dma_semaphore, #tpu.memory_space<semaphore_mem>>) {add = true}
        %dma_wait3A_89 = arith.constant 0 : i32
        %dma_wait3A_90 = tpu.memref_slice %arg7[%sub3A_56, %dma_wait3A_89] : memref<40x128xi32, #tpu.memory_space<vmem>> -> memref<1x128xi32, #tpu.memory_space<vmem>>
        %dma_wait3A_91 = tpu.memref_squeeze %dma_wait3A_90 : memref<1x128xi32, #tpu.memory_space<vmem>> -> memref<128xi32, #tpu.memory_space<vmem>>
        %dma_wait3A_92 = arith.constant 0 : i32
        %dma_wait3A_93 = arith.constant 0 : i32
        %dma_wait3A_94 = tpu.memref_slice %arg10[%dma_wait3A_92, %dma_wait3A_93] : memref<10112x128xf32, #tpu.memory_space<vmem_shared>> -> memref<10112x128xf32, #tpu.memory_space<vmem_shared>>
        tpu.wait_indirect_dma semaphore(%run_scoped3A : memref<!tpu.dma_semaphore, #tpu.memory_space<semaphore_mem>>) src(%arg8 : memref<128x128xf32, #tpu.memory_space<vmem>>) dst(%dma_wait3A_94 : memref<10112x128xf32, #tpu.memory_space<vmem_shared>>)
        tpu.yield
      }) : () -> ()
      %add3A_57 = arith.constant 2 : i32
      %add3A_58 = arith.addi %mul3A_49, %add3A_57 : i32
      %dma_start3A_59 = arith.constant 0 : i32
      %dma_start3A_60 = tpu.memref_slice %arg6[%add3A_58, %dma_start3A_59] : memref<82x128xi32, #tpu.memory_space<vmem>> -> memref<1x128xi32, #tpu.memory_space<vmem>>
      %dma_start3A_61 = tpu.memref_squeeze %dma_start3A_60 : memref<1x128xi32, #tpu.memory_space<vmem>> -> memref<128xi32, #tpu.memory_space<vmem>>
      %dma_start3A_62 = arith.constant 0 : i32
      %dma_start3A_63 = arith.constant 0 : i32
      %dma_start3A_64 = tpu.memref_slice %arg4[%dma_start3A_62, %dma_start3A_63] : memref<20480x128xf32, #tpu.memory_space<hbm>> -> memref<20480x128xf32, #tpu.memory_space<hbm>>
      tpu.enqueue_indirect_dma source(%dma_start3A_64 : memref<20480x128xf32, #tpu.memory_space<hbm>>) target(%arg8 : memref<128x128xf32, #tpu.memory_space<vmem>>) offsets(%dma_start3A_61 : memref<128xi32, #tpu.memory_space<vmem>>) semaphore(%arg11 : memref<!tpu.dma_semaphore, #tpu.memory_space<semaphore_mem>>)
      %add3A_65 = arith.constant 1 : i32
      %add3A_66 = arith.addi %mul3A_49, %add3A_65 : i32
      %dma_wait3A_67 = arith.constant 0 : i32
      %dma_wait3A_68 = tpu.memref_slice %arg6[%add3A_66, %dma_wait3A_67] : memref<82x128xi32, #tpu.memory_space<vmem>> -> memref<1x128xi32, #tpu.memory_space<vmem>>
      %dma_wait3A_69 = tpu.memref_squeeze %dma_wait3A_68 : memref<1x128xi32, #tpu.memory_space<vmem>> -> memref<128xi32, #tpu.memory_space<vmem>>
      %dma_wait3A_70 = arith.constant 0 : i32
      %dma_wait3A_71 = arith.constant 0 : i32
      %dma_wait3A_72 = tpu.memref_slice %arg4[%dma_wait3A_70, %dma_wait3A_71] : memref<20480x128xf32, #tpu.memory_space<hbm>> -> memref<20480x128xf32, #tpu.memory_space<hbm>>
      tpu.wait_indirect_dma semaphore(%arg12 : memref<!tpu.dma_semaphore, #tpu.memory_space<semaphore_mem>>) src(%dma_wait3A_72 : memref<20480x128xf32, #tpu.memory_space<hbm>>) dst(%arg9 : memref<128x128xf32, #tpu.memory_space<vmem>>)
      %sub3A_73 = arith.constant 0 : i32
      %sub3A_74 = arith.subi %add3A_66, %sub3A_73 : i32
      "tpu.region"() ({
        %run_scoped3A = tpu.sem_alloc : memref<!tpu.dma_semaphore, #tpu.memory_space<semaphore_mem>>
        %dma_start3A_83 = arith.constant 0 : i32
        %dma_start3A_84 = tpu.memref_slice %arg7[%sub3A_74, %dma_start3A_83] : memref<40x128xi32, #tpu.memory_space<vmem>> -> memref<1x128xi32, #tpu.memory_space<vmem>>
        %dma_start3A_85 = tpu.memref_squeeze %dma_start3A_84 : memref<1x128xi32, #tpu.memory_space<vmem>> -> memref<128xi32, #tpu.memory_space<vmem>>
        %dma_start3A_86 = arith.constant 0 : i32
        %dma_start3A_87 = arith.constant 0 : i32
        %dma_start3A_88 = tpu.memref_slice %arg10[%dma_start3A_86, %dma_start3A_87] : memref<10112x128xf32, #tpu.memory_space<vmem_shared>> -> memref<10112x128xf32, #tpu.memory_space<vmem_shared>>
        tpu.enqueue_indirect_dma source(%arg9 : memref<128x128xf32, #tpu.memory_space<vmem>>) target(%dma_start3A_88 : memref<10112x128xf32, #tpu.memory_space<vmem_shared>>) offsets(%dma_start3A_85 : memref<128xi32, #tpu.memory_space<vmem>>) semaphore(%run_scoped3A : memref<!tpu.dma_semaphore, #tpu.memory_space<semaphore_mem>>) {add = true}
        %dma_wait3A_89 = arith.constant 0 : i32
        %dma_wait3A_90 = tpu.memref_slice %arg7[%sub3A_74, %dma_wait3A_89] : memref<40x128xi32, #tpu.memory_space<vmem>> -> memref<1x128xi32, #tpu.memory_space<vmem>>
        %dma_wait3A_91 = tpu.memref_squeeze %dma_wait3A_90 : memref<1x128xi32, #tpu.memory_space<vmem>> -> memref<128xi32, #tpu.memory_space<vmem>>
        %dma_wait3A_92 = arith.constant 0 : i32
        %dma_wait3A_93 = arith.constant 0 : i32
        %dma_wait3A_94 = tpu.memref_slice %arg10[%dma_wait3A_92, %dma_wait3A_93] : memref<10112x128xf32, #tpu.memory_space<vmem_shared>> -> memref<10112x128xf32, #tpu.memory_space<vmem_shared>>
        tpu.wait_indirect_dma semaphore(%run_scoped3A : memref<!tpu.dma_semaphore, #tpu.memory_space<semaphore_mem>>) src(%arg9 : memref<128x128xf32, #tpu.memory_space<vmem>>) dst(%dma_wait3A_94 : memref<10112x128xf32, #tpu.memory_space<vmem_shared>>)
        tpu.yield
      }) : () -> ()
      %add3A_75 = arith.constant 2 : i32
      %add3A_76 = arith.addi %add3A_66, %add3A_75 : i32
      %dma_start3A_77 = arith.constant 0 : i32
      %dma_start3A_78 = tpu.memref_slice %arg6[%add3A_76, %dma_start3A_77] : memref<82x128xi32, #tpu.memory_space<vmem>> -> memref<1x128xi32, #tpu.memory_space<vmem>>
      %dma_start3A_79 = tpu.memref_squeeze %dma_start3A_78 : memref<1x128xi32, #tpu.memory_space<vmem>> -> memref<128xi32, #tpu.memory_space<vmem>>
      %dma_start3A_80 = arith.constant 0 : i32
      %dma_start3A_81 = arith.constant 0 : i32
      %dma_start3A_82 = tpu.memref_slice %arg4[%dma_start3A_80, %dma_start3A_81] : memref<20480x128xf32, #tpu.memory_space<hbm>> -> memref<20480x128xf32, #tpu.memory_space<hbm>>
      tpu.enqueue_indirect_dma source(%dma_start3A_82 : memref<20480x128xf32, #tpu.memory_space<hbm>>) target(%arg9 : memref<128x128xf32, #tpu.memory_space<vmem>>) offsets(%dma_start3A_79 : memref<128xi32, #tpu.memory_space<vmem>>) semaphore(%arg12 : memref<!tpu.dma_semaphore, #tpu.memory_space<semaphore_mem>>)
    }
    %scan3A_22 = arith.constant 20 : i32
    "tpu.region"() ({
      %run_scoped3A = tpu.sem_alloc : memref<!tpu.dma_semaphore, #tpu.memory_space<semaphore_mem>>
      %dma_start3A_47 = arith.constant 40 : i32
      %dma_start3A_48 = arith.constant 0 : i32
      %dma_start3A_49 = tpu.memref_slice %arg3[%arg1, %dma_start3A_47, %dma_start3A_48] : memref<16x80x128xi32, #tpu.memory_space<hbm>> -> memref<1x40x128xi32, #tpu.memory_space<hbm>>
      %dma_start3A_50 = tpu.memref_squeeze %dma_start3A_49 : memref<1x40x128xi32, #tpu.memory_space<hbm>> -> memref<40x128xi32, #tpu.memory_space<hbm>>
      %dma_start3A_51 = arith.constant 40 : i32
      %dma_start3A_52 = arith.constant 0 : i32
      %dma_start3A_53 = tpu.memref_slice %arg3[%arg1, %dma_start3A_51, %dma_start3A_52] : memref<16x80x128xi32, #tpu.memory_space<hbm>> -> memref<1x40x128xi32, #tpu.memory_space<hbm>>
      %dma_start3A_54 = tpu.memref_squeeze %dma_start3A_53 : memref<1x40x128xi32, #tpu.memory_space<hbm>> -> memref<40x128xi32, #tpu.memory_space<hbm>>
      tpu.enqueue_dma source(%dma_start3A_54 : memref<40x128xi32, #tpu.memory_space<hbm>>) target(%arg7 : memref<40x128xi32, #tpu.memory_space<vmem>>) target_semaphore(%run_scoped3A : memref<!tpu.dma_semaphore, #tpu.memory_space<semaphore_mem>>)
      %dma_wait3A_55 = arith.constant 40 : i32
      %dma_wait3A_56 = arith.constant 0 : i32
      %dma_wait3A_57 = tpu.memref_slice %arg3[%arg1, %dma_wait3A_55, %dma_wait3A_56] : memref<16x80x128xi32, #tpu.memory_space<hbm>> -> memref<1x40x128xi32, #tpu.memory_space<hbm>>
      %dma_wait3A_58 = tpu.memref_squeeze %dma_wait3A_57 : memref<1x40x128xi32, #tpu.memory_space<hbm>> -> memref<40x128xi32, #tpu.memory_space<hbm>>
      %dma_wait3A_59 = arith.constant 40 : i32
      %dma_wait3A_60 = arith.constant 0 : i32
      %dma_wait3A_61 = tpu.memref_slice %arg3[%arg1, %dma_wait3A_59, %dma_wait3A_60] : memref<16x80x128xi32, #tpu.memory_space<hbm>> -> memref<1x40x128xi32, #tpu.memory_space<hbm>>
      %dma_wait3A_62 = tpu.memref_squeeze %dma_wait3A_61 : memref<1x40x128xi32, #tpu.memory_space<hbm>> -> memref<40x128xi32, #tpu.memory_space<hbm>>
      tpu.wait_dma2 semaphore(%run_scoped3A : memref<!tpu.dma_semaphore, #tpu.memory_space<semaphore_mem>>) src(%dma_wait3A_62 : memref<40x128xi32, #tpu.memory_space<hbm>>) dst(%arg7 : memref<40x128xi32, #tpu.memory_space<vmem>>)
      tpu.yield
    }) : () -> ()
    %scan3A_23 = arith.constant 0 : i32
    %scan3A_24 = arith.constant 20 : i32
    %scan3A_25 = arith.constant 20 : i32
    %scan3A_26 = arith.addi %scan3A_24, %scan3A_25 : i32
    %scan3A_27 = arith.constant 1 : i32
    scf.for %scan3A_47 = %scan3A_24 to %scan3A_26 step %scan3A_27  : i32 {
      %mul3A_48 = arith.constant 2 : i32
      %mul3A_49 = arith.muli %mul3A_48, %scan3A_47 : i32
      %dma_wait3A_50 = arith.constant 0 : i32
      %dma_wait3A_51 = tpu.memref_slice %arg6[%mul3A_49, %dma_wait3A_50] : memref<82x128xi32, #tpu.memory_space<vmem>> -> memref<1x128xi32, #tpu.memory_space<vmem>>
      %dma_wait3A_52 = tpu.memref_squeeze %dma_wait3A_51 : memref<1x128xi32, #tpu.memory_space<vmem>> -> memref<128xi32, #tpu.memory_space<vmem>>
      %dma_wait3A_53 = arith.constant 0 : i32
      %dma_wait3A_54 = arith.constant 0 : i32
      %dma_wait3A_55 = tpu.memref_slice %arg4[%dma_wait3A_53, %dma_wait3A_54] : memref<20480x128xf32, #tpu.memory_space<hbm>> -> memref<20480x128xf32, #tpu.memory_space<hbm>>
      tpu.wait_indirect_dma semaphore(%arg11 : memref<!tpu.dma_semaphore, #tpu.memory_space<semaphore_mem>>) src(%dma_wait3A_55 : memref<20480x128xf32, #tpu.memory_space<hbm>>) dst(%arg8 : memref<128x128xf32, #tpu.memory_space<vmem>>)
      %sub3A = arith.constant 40 : i32
      %sub3A_56 = arith.subi %mul3A_49, %sub3A : i32
      "tpu.region"() ({
        %run_scoped3A = tpu.sem_alloc : memref<!tpu.dma_semaphore, #tpu.memory_space<semaphore_mem>>
        %dma_start3A_83 = arith.constant 0 : i32
        %dma_start3A_84 = tpu.memref_slice %arg7[%sub3A_56, %dma_start3A_83] : memref<40x128xi32, #tpu.memory_space<vmem>> -> memref<1x128xi32, #tpu.memory_space<vmem>>
        %dma_start3A_85 = tpu.memref_squeeze %dma_start3A_84 : memref<1x128xi32, #tpu.memory_space<vmem>> -> memref<128xi32, #tpu.memory_space<vmem>>
        %dma_start3A_86 = arith.constant 0 : i32
        %dma_start3A_87 = arith.constant 0 : i32
        %dma_start3A_88 = tpu.memref_slice %arg10[%dma_start3A_86, %dma_start3A_87] : memref<10112x128xf32, #tpu.memory_space<vmem_shared>> -> memref<10112x128xf32, #tpu.memory_space<vmem_shared>>
        tpu.enqueue_indirect_dma source(%arg8 : memref<128x128xf32, #tpu.memory_space<vmem>>) target(%dma_start3A_88 : memref<10112x128xf32, #tpu.memory_space<vmem_shared>>) offsets(%dma_start3A_85 : memref<128xi32, #tpu.memory_space<vmem>>) semaphore(%run_scoped3A : memref<!tpu.dma_semaphore, #tpu.memory_space<semaphore_mem>>) {add = true}
        %dma_wait3A_89 = arith.constant 0 : i32
        %dma_wait3A_90 = tpu.memref_slice %arg7[%sub3A_56, %dma_wait3A_89] : memref<40x128xi32, #tpu.memory_space<vmem>> -> memref<1x128xi32, #tpu.memory_space<vmem>>
        %dma_wait3A_91 = tpu.memref_squeeze %dma_wait3A_90 : memref<1x128xi32, #tpu.memory_space<vmem>> -> memref<128xi32, #tpu.memory_space<vmem>>
        %dma_wait3A_92 = arith.constant 0 : i32
        %dma_wait3A_93 = arith.constant 0 : i32
        %dma_wait3A_94 = tpu.memref_slice %arg10[%dma_wait3A_92, %dma_wait3A_93] : memref<10112x128xf32, #tpu.memory_space<vmem_shared>> -> memref<10112x128xf32, #tpu.memory_space<vmem_shared>>
        tpu.wait_indirect_dma semaphore(%run_scoped3A : memref<!tpu.dma_semaphore, #tpu.memory_space<semaphore_mem>>) src(%arg8 : memref<128x128xf32, #tpu.memory_space<vmem>>) dst(%dma_wait3A_94 : memref<10112x128xf32, #tpu.memory_space<vmem_shared>>)
        tpu.yield
      }) : () -> ()
      %add3A_57 = arith.constant 2 : i32
      %add3A_58 = arith.addi %mul3A_49, %add3A_57 : i32
      %dma_start3A_59 = arith.constant 0 : i32
      %dma_start3A_60 = tpu.memref_slice %arg6[%add3A_58, %dma_start3A_59] : memref<82x128xi32, #tpu.memory_space<vmem>> -> memref<1x128xi32, #tpu.memory_space<vmem>>
      %dma_start3A_61 = tpu.memref_squeeze %dma_start3A_60 : memref<1x128xi32, #tpu.memory_space<vmem>> -> memref<128xi32, #tpu.memory_space<vmem>>
      %dma_start3A_62 = arith.constant 0 : i32
      %dma_start3A_63 = arith.constant 0 : i32
      %dma_start3A_64 = tpu.memref_slice %arg4[%dma_start3A_62, %dma_start3A_63] : memref<20480x128xf32, #tpu.memory_space<hbm>> -> memref<20480x128xf32, #tpu.memory_space<hbm>>
      tpu.enqueue_indirect_dma source(%dma_start3A_64 : memref<20480x128xf32, #tpu.memory_space<hbm>>) target(%arg8 : memref<128x128xf32, #tpu.memory_space<vmem>>) offsets(%dma_start3A_61 : memref<128xi32, #tpu.memory_space<vmem>>) semaphore(%arg11 : memref<!tpu.dma_semaphore, #tpu.memory_space<semaphore_mem>>)
      %add3A_65 = arith.constant 1 : i32
      %add3A_66 = arith.addi %mul3A_49, %add3A_65 : i32
      %dma_wait3A_67 = arith.constant 0 : i32
      %dma_wait3A_68 = tpu.memref_slice %arg6[%add3A_66, %dma_wait3A_67] : memref<82x128xi32, #tpu.memory_space<vmem>> -> memref<1x128xi32, #tpu.memory_space<vmem>>
      %dma_wait3A_69 = tpu.memref_squeeze %dma_wait3A_68 : memref<1x128xi32, #tpu.memory_space<vmem>> -> memref<128xi32, #tpu.memory_space<vmem>>
      %dma_wait3A_70 = arith.constant 0 : i32
      %dma_wait3A_71 = arith.constant 0 : i32
      %dma_wait3A_72 = tpu.memref_slice %arg4[%dma_wait3A_70, %dma_wait3A_71] : memref<20480x128xf32, #tpu.memory_space<hbm>> -> memref<20480x128xf32, #tpu.memory_space<hbm>>
      tpu.wait_indirect_dma semaphore(%arg12 : memref<!tpu.dma_semaphore, #tpu.memory_space<semaphore_mem>>) src(%dma_wait3A_72 : memref<20480x128xf32, #tpu.memory_space<hbm>>) dst(%arg9 : memref<128x128xf32, #tpu.memory_space<vmem>>)
      %sub3A_73 = arith.constant 40 : i32
      %sub3A_74 = arith.subi %add3A_66, %sub3A_73 : i32
      "tpu.region"() ({
        %run_scoped3A = tpu.sem_alloc : memref<!tpu.dma_semaphore, #tpu.memory_space<semaphore_mem>>
        %dma_start3A_83 = arith.constant 0 : i32
        %dma_start3A_84 = tpu.memref_slice %arg7[%sub3A_74, %dma_start3A_83] : memref<40x128xi32, #tpu.memory_space<vmem>> -> memref<1x128xi32, #tpu.memory_space<vmem>>
        %dma_start3A_85 = tpu.memref_squeeze %dma_start3A_84 : memref<1x128xi32, #tpu.memory_space<vmem>> -> memref<128xi32, #tpu.memory_space<vmem>>
        %dma_start3A_86 = arith.constant 0 : i32
        %dma_start3A_87 = arith.constant 0 : i32
        %dma_start3A_88 = tpu.memref_slice %arg10[%dma_start3A_86, %dma_start3A_87] : memref<10112x128xf32, #tpu.memory_space<vmem_shared>> -> memref<10112x128xf32, #tpu.memory_space<vmem_shared>>
        tpu.enqueue_indirect_dma source(%arg9 : memref<128x128xf32, #tpu.memory_space<vmem>>) target(%dma_start3A_88 : memref<10112x128xf32, #tpu.memory_space<vmem_shared>>) offsets(%dma_start3A_85 : memref<128xi32, #tpu.memory_space<vmem>>) semaphore(%run_scoped3A : memref<!tpu.dma_semaphore, #tpu.memory_space<semaphore_mem>>) {add = true}
        %dma_wait3A_89 = arith.constant 0 : i32
        %dma_wait3A_90 = tpu.memref_slice %arg7[%sub3A_74, %dma_wait3A_89] : memref<40x128xi32, #tpu.memory_space<vmem>> -> memref<1x128xi32, #tpu.memory_space<vmem>>
        %dma_wait3A_91 = tpu.memref_squeeze %dma_wait3A_90 : memref<1x128xi32, #tpu.memory_space<vmem>> -> memref<128xi32, #tpu.memory_space<vmem>>
        %dma_wait3A_92 = arith.constant 0 : i32
        %dma_wait3A_93 = arith.constant 0 : i32
        %dma_wait3A_94 = tpu.memref_slice %arg10[%dma_wait3A_92, %dma_wait3A_93] : memref<10112x128xf32, #tpu.memory_space<vmem_shared>> -> memref<10112x128xf32, #tpu.memory_space<vmem_shared>>
        tpu.wait_indirect_dma semaphore(%run_scoped3A : memref<!tpu.dma_semaphore, #tpu.memory_space<semaphore_mem>>) src(%arg9 : memref<128x128xf32, #tpu.memory_space<vmem>>) dst(%dma_wait3A_94 : memref<10112x128xf32, #tpu.memory_space<vmem_shared>>)
        tpu.yield
      }) : () -> ()
      %add3A_75 = arith.constant 2 : i32
      %add3A_76 = arith.addi %add3A_66, %add3A_75 : i32
      %dma_start3A_77 = arith.constant 0 : i32
      %dma_start3A_78 = tpu.memref_slice %arg6[%add3A_76, %dma_start3A_77] : memref<82x128xi32, #tpu.memory_space<vmem>> -> memref<1x128xi32, #tpu.memory_space<vmem>>
      %dma_start3A_79 = tpu.memref_squeeze %dma_start3A_78 : memref<1x128xi32, #tpu.memory_space<vmem>> -> memref<128xi32, #tpu.memory_space<vmem>>
      %dma_start3A_80 = arith.constant 0 : i32
      %dma_start3A_81 = arith.constant 0 : i32
      %dma_start3A_82 = tpu.memref_slice %arg4[%dma_start3A_80, %dma_start3A_81] : memref<20480x128xf32, #tpu.memory_space<hbm>> -> memref<20480x128xf32, #tpu.memory_space<hbm>>
      tpu.enqueue_indirect_dma source(%dma_start3A_82 : memref<20480x128xf32, #tpu.memory_space<hbm>>) target(%arg9 : memref<128x128xf32, #tpu.memory_space<vmem>>) offsets(%dma_start3A_79 : memref<128xi32, #tpu.memory_space<vmem>>) semaphore(%arg12 : memref<!tpu.dma_semaphore, #tpu.memory_space<semaphore_mem>>)
    }
    %scan3A_28 = arith.constant 20 : i32
    %dma_wait3A = arith.constant 80 : i32
    %dma_wait3A_29 = arith.constant 0 : i32
    %dma_wait3A_30 = tpu.memref_slice %arg6[%dma_wait3A, %dma_wait3A_29] : memref<82x128xi32, #tpu.memory_space<vmem>> -> memref<1x128xi32, #tpu.memory_space<vmem>>
    %dma_wait3A_31 = tpu.memref_squeeze %dma_wait3A_30 : memref<1x128xi32, #tpu.memory_space<vmem>> -> memref<128xi32, #tpu.memory_space<vmem>>
    %dma_wait3A_32 = arith.constant 0 : i32
    %dma_wait3A_33 = arith.constant 0 : i32
    %dma_wait3A_34 = tpu.memref_slice %arg4[%dma_wait3A_32, %dma_wait3A_33] : memref<20480x128xf32, #tpu.memory_space<hbm>> -> memref<20480x128xf32, #tpu.memory_space<hbm>>
    tpu.wait_indirect_dma semaphore(%arg11 : memref<!tpu.dma_semaphore, #tpu.memory_space<semaphore_mem>>) src(%dma_wait3A_34 : memref<20480x128xf32, #tpu.memory_space<hbm>>) dst(%arg8 : memref<128x128xf32, #tpu.memory_space<vmem>>)
    %dma_wait3A_35 = arith.constant 81 : i32
    %dma_wait3A_36 = arith.constant 0 : i32
    %dma_wait3A_37 = tpu.memref_slice %arg6[%dma_wait3A_35, %dma_wait3A_36] : memref<82x128xi32, #tpu.memory_space<vmem>> -> memref<1x128xi32, #tpu.memory_space<vmem>>
    %dma_wait3A_38 = tpu.memref_squeeze %dma_wait3A_37 : memref<1x128xi32, #tpu.memory_space<vmem>> -> memref<128xi32, #tpu.memory_space<vmem>>
    %dma_wait3A_39 = arith.constant 0 : i32
    %dma_wait3A_40 = arith.constant 0 : i32
    %dma_wait3A_41 = tpu.memref_slice %arg4[%dma_wait3A_39, %dma_wait3A_40] : memref<20480x128xf32, #tpu.memory_space<hbm>> -> memref<20480x128xf32, #tpu.memory_space<hbm>>
    tpu.wait_indirect_dma semaphore(%arg12 : memref<!tpu.dma_semaphore, #tpu.memory_space<semaphore_mem>>) src(%dma_wait3A_41 : memref<20480x128xf32, #tpu.memory_space<hbm>>) dst(%arg9 : memref<128x128xf32, #tpu.memory_space<vmem>>)
    %barrier3A_42 = arith.constant 0 : index
    tpu.barrier barrier_id(%barrier3A_42)
    %mul3A_43 = arith.constant 632 : i32
    %mul3A_44 = arith.muli %arg1, %mul3A_43 : i32
    %mul3A_45 = arith.constant 632 : i32
    %mul3A_46 = arith.muli %arg1, %mul3A_45 : i32
    "tpu.region"() ({
      %run_scoped3A = tpu.sem_alloc : memref<!tpu.dma_semaphore, #tpu.memory_space<semaphore_mem>>
      %dma_start3A_47 = arith.constant 0 : i32
      %dma_start3A_48 = tpu.memref_slice %arg5[%arg0, %mul3A_46, %dma_start3A_47] : memref<2x10112x128xf32, #tpu.memory_space<hbm>> -> memref<1x632x128xf32, #tpu.memory_space<hbm>>
      %dma_start3A_49 = tpu.memref_squeeze %dma_start3A_48 : memref<1x632x128xf32, #tpu.memory_space<hbm>> -> memref<632x128xf32, #tpu.memory_space<hbm>>
      %dma_start3A_50 = arith.constant 0 : i32
      %dma_start3A_51 = tpu.memref_slice %arg10[%mul3A_44, %dma_start3A_50] : memref<10112x128xf32, #tpu.memory_space<vmem_shared>> -> memref<632x128xf32, #tpu.memory_space<vmem_shared>>
      tpu.enqueue_dma source(%dma_start3A_51 : memref<632x128xf32, #tpu.memory_space<vmem_shared>>) target(%dma_start3A_49 : memref<632x128xf32, #tpu.memory_space<hbm>>) target_semaphore(%run_scoped3A : memref<!tpu.dma_semaphore, #tpu.memory_space<semaphore_mem>>)
      %dma_wait3A_52 = arith.constant 0 : i32
      %dma_wait3A_53 = tpu.memref_slice %arg5[%arg0, %mul3A_46, %dma_wait3A_52] : memref<2x10112x128xf32, #tpu.memory_space<hbm>> -> memref<1x632x128xf32, #tpu.memory_space<hbm>>
      %dma_wait3A_54 = tpu.memref_squeeze %dma_wait3A_53 : memref<1x632x128xf32, #tpu.memory_space<hbm>> -> memref<632x128xf32, #tpu.memory_space<hbm>>
      %dma_wait3A_55 = arith.constant 0 : i32
      %dma_wait3A_56 = tpu.memref_slice %arg10[%mul3A_44, %dma_wait3A_55] : memref<10112x128xf32, #tpu.memory_space<vmem_shared>> -> memref<632x128xf32, #tpu.memory_space<vmem_shared>>
      tpu.wait_dma2 semaphore(%run_scoped3A : memref<!tpu.dma_semaphore, #tpu.memory_space<semaphore_mem>>) src(%dma_wait3A_56 : memref<632x128xf32, #tpu.memory_space<vmem_shared>>) dst(%dma_wait3A_54 : memref<632x128xf32, #tpu.memory_space<hbm>>)
      tpu.yield
    }) : () -> ()
    return
  }
}

#map = affine_map<(d0, d1) -> (0, 0, 0)>
#map1 = affine_map<(d0, d1) -> (0)>
#map2 = affine_map<(d0, d1) -> (0, 0)>
module attributes {stable_mosaic.version = 14 : i64} {
  func.func @_sc_deg(%arg0: i32, %arg1: i32, %arg2: memref<32x40x128xi32, #tpu.memory_space<hbm>>, %arg3: memref<10240xf32, #tpu.memory_space<hbm>>, %arg4: memref<2x10240xf32, #tpu.memory_space<hbm>>, %arg5: memref<40x128xi32, #tpu.memory_space<vmem>>, %arg6: memref<128xf32, #tpu.memory_space<vmem>>, %arg7: memref<10240xf32, #tpu.memory_space<vmem_shared>>, %arg8: memref<!tpu.dma_semaphore, #tpu.memory_space<semaphore_mem>>) attributes {dimension_semantics = [#tpu.dimension_semantics<core_parallel>, #tpu.dimension_semantics<subcore_parallel>], iteration_bounds = array<i64: 2, 16>, scalar_prefetch = 0 : i64, scratch_operands = 4 : i64, tpu.core_type = #tpu.core_type<sc_vector_subcore>, window_params = [{transform_indices = #map}, {transform_indices = #map1}, {transform_indices = #map2}]} {
    %mul3A = arith.constant 2 : i32
    %mul3A_0 = arith.muli %arg1, %mul3A : i32
    %add3A = arith.addi %mul3A_0, %arg0 : i32
    "tpu.region"() ({
      %run_scoped3A = tpu.sem_alloc : memref<!tpu.dma_semaphore, #tpu.memory_space<semaphore_mem>>
      %dma_start3A = arith.constant 0 : i32
      %dma_start3A_15 = arith.constant 0 : i32
      %dma_start3A_16 = tpu.memref_slice %arg2[%add3A, %dma_start3A, %dma_start3A_15] : memref<32x40x128xi32, #tpu.memory_space<hbm>> -> memref<1x40x128xi32, #tpu.memory_space<hbm>>
      %dma_start3A_17 = tpu.memref_squeeze %dma_start3A_16 : memref<1x40x128xi32, #tpu.memory_space<hbm>> -> memref<40x128xi32, #tpu.memory_space<hbm>>
      %dma_start3A_18 = arith.constant 0 : i32
      %dma_start3A_19 = arith.constant 0 : i32
      %dma_start3A_20 = tpu.memref_slice %arg2[%add3A, %dma_start3A_18, %dma_start3A_19] : memref<32x40x128xi32, #tpu.memory_space<hbm>> -> memref<1x40x128xi32, #tpu.memory_space<hbm>>
      %dma_start3A_21 = tpu.memref_squeeze %dma_start3A_20 : memref<1x40x128xi32, #tpu.memory_space<hbm>> -> memref<40x128xi32, #tpu.memory_space<hbm>>
      tpu.enqueue_dma source(%dma_start3A_21 : memref<40x128xi32, #tpu.memory_space<hbm>>) target(%arg5 : memref<40x128xi32, #tpu.memory_space<vmem>>) target_semaphore(%run_scoped3A : memref<!tpu.dma_semaphore, #tpu.memory_space<semaphore_mem>>)
      %dma_wait3A = arith.constant 0 : i32
      %dma_wait3A_22 = arith.constant 0 : i32
      %dma_wait3A_23 = tpu.memref_slice %arg2[%add3A, %dma_wait3A, %dma_wait3A_22] : memref<32x40x128xi32, #tpu.memory_space<hbm>> -> memref<1x40x128xi32, #tpu.memory_space<hbm>>
      %dma_wait3A_24 = tpu.memref_squeeze %dma_wait3A_23 : memref<1x40x128xi32, #tpu.memory_space<hbm>> -> memref<40x128xi32, #tpu.memory_space<hbm>>
      %dma_wait3A_25 = arith.constant 0 : i32
      %dma_wait3A_26 = arith.constant 0 : i32
      %dma_wait3A_27 = tpu.memref_slice %arg2[%add3A, %dma_wait3A_25, %dma_wait3A_26] : memref<32x40x128xi32, #tpu.memory_space<hbm>> -> memref<1x40x128xi32, #tpu.memory_space<hbm>>
      %dma_wait3A_28 = tpu.memref_squeeze %dma_wait3A_27 : memref<1x40x128xi32, #tpu.memory_space<hbm>> -> memref<40x128xi32, #tpu.memory_space<hbm>>
      tpu.wait_dma2 semaphore(%run_scoped3A : memref<!tpu.dma_semaphore, #tpu.memory_space<semaphore_mem>>) src(%dma_wait3A_28 : memref<40x128xi32, #tpu.memory_space<hbm>>) dst(%arg5 : memref<40x128xi32, #tpu.memory_space<vmem>>)
      tpu.yield
    }) : () -> ()
    "tpu.region"() ({
      %run_scoped3A = tpu.sem_alloc : memref<!tpu.dma_semaphore, #tpu.memory_space<semaphore_mem>>
      %dma_start3A = arith.constant 0 : i32
      %dma_start3A_15 = tpu.memref_slice %arg3[%dma_start3A] : memref<10240xf32, #tpu.memory_space<hbm>> -> memref<128xf32, #tpu.memory_space<hbm>>
      %dma_start3A_16 = arith.constant 0 : i32
      %dma_start3A_17 = tpu.memref_slice %arg3[%dma_start3A_16] : memref<10240xf32, #tpu.memory_space<hbm>> -> memref<128xf32, #tpu.memory_space<hbm>>
      tpu.enqueue_dma source(%dma_start3A_17 : memref<128xf32, #tpu.memory_space<hbm>>) target(%arg6 : memref<128xf32, #tpu.memory_space<vmem>>) target_semaphore(%run_scoped3A : memref<!tpu.dma_semaphore, #tpu.memory_space<semaphore_mem>>)
      %dma_wait3A = arith.constant 0 : i32
      %dma_wait3A_18 = tpu.memref_slice %arg3[%dma_wait3A] : memref<10240xf32, #tpu.memory_space<hbm>> -> memref<128xf32, #tpu.memory_space<hbm>>
      %dma_wait3A_19 = arith.constant 0 : i32
      %dma_wait3A_20 = tpu.memref_slice %arg3[%dma_wait3A_19] : memref<10240xf32, #tpu.memory_space<hbm>> -> memref<128xf32, #tpu.memory_space<hbm>>
      tpu.wait_dma2 semaphore(%run_scoped3A : memref<!tpu.dma_semaphore, #tpu.memory_space<semaphore_mem>>) src(%dma_wait3A_20 : memref<128xf32, #tpu.memory_space<hbm>>) dst(%arg6 : memref<128xf32, #tpu.memory_space<vmem>>)
      tpu.yield
    }) : () -> ()
    %mul3A_1 = arith.constant 640 : i32
    %mul3A_2 = arith.muli %arg1, %mul3A_1 : i32
    %mul3A_3 = arith.constant 640 : i32
    %mul3A_4 = arith.muli %arg1, %mul3A_3 : i32
    "tpu.region"() ({
      %run_scoped3A = tpu.sem_alloc : memref<!tpu.dma_semaphore, #tpu.memory_space<semaphore_mem>>
      %dma_start3A = tpu.memref_slice %arg7[%mul3A_4] : memref<10240xf32, #tpu.memory_space<vmem_shared>> -> memref<640xf32, #tpu.memory_space<vmem_shared>>
      %dma_start3A_15 = tpu.memref_slice %arg3[%mul3A_2] : memref<10240xf32, #tpu.memory_space<hbm>> -> memref<640xf32, #tpu.memory_space<hbm>>
      tpu.enqueue_dma source(%dma_start3A_15 : memref<640xf32, #tpu.memory_space<hbm>>) target(%dma_start3A : memref<640xf32, #tpu.memory_space<vmem_shared>>) target_semaphore(%run_scoped3A : memref<!tpu.dma_semaphore, #tpu.memory_space<semaphore_mem>>)
      %dma_wait3A = tpu.memref_slice %arg7[%mul3A_4] : memref<10240xf32, #tpu.memory_space<vmem_shared>> -> memref<640xf32, #tpu.memory_space<vmem_shared>>
      %dma_wait3A_16 = tpu.memref_slice %arg3[%mul3A_2] : memref<10240xf32, #tpu.memory_space<hbm>> -> memref<640xf32, #tpu.memory_space<hbm>>
      tpu.wait_dma2 semaphore(%run_scoped3A : memref<!tpu.dma_semaphore, #tpu.memory_space<semaphore_mem>>) src(%dma_wait3A_16 : memref<640xf32, #tpu.memory_space<hbm>>) dst(%dma_wait3A : memref<640xf32, #tpu.memory_space<vmem_shared>>)
      tpu.yield
    }) : () -> ()
    %barrier3A = arith.constant 0 : index
    tpu.barrier barrier_id(%barrier3A)
    %scan3A = arith.constant 0 : i32
    %scan3A_5 = arith.constant 0 : i32
    %scan3A_6 = arith.constant 40 : i32
    %scan3A_7 = arith.addi %scan3A_5, %scan3A_6 : i32
    %scan3A_8 = arith.constant 1 : i32
    scf.for %scan3A_15 = %scan3A_5 to %scan3A_7 step %scan3A_8  : i32 {
      "tpu.region"() ({
        %run_scoped3A = tpu.sem_alloc : memref<!tpu.dma_semaphore, #tpu.memory_space<semaphore_mem>>
        %dma_start3A = arith.constant 0 : i32
        %dma_start3A_16 = tpu.memref_slice %arg5[%scan3A_15, %dma_start3A] : memref<40x128xi32, #tpu.memory_space<vmem>> -> memref<1x128xi32, #tpu.memory_space<vmem>>
        %dma_start3A_17 = tpu.memref_squeeze %dma_start3A_16 : memref<1x128xi32, #tpu.memory_space<vmem>> -> memref<128xi32, #tpu.memory_space<vmem>>
        %dma_start3A_18 = arith.constant 0 : i32
        %dma_start3A_19 = tpu.memref_slice %arg7[%dma_start3A_18] : memref<10240xf32, #tpu.memory_space<vmem_shared>> -> memref<10240xf32, #tpu.memory_space<vmem_shared>>
        tpu.enqueue_indirect_dma source(%arg6 : memref<128xf32, #tpu.memory_space<vmem>>) target(%dma_start3A_19 : memref<10240xf32, #tpu.memory_space<vmem_shared>>) offsets(%dma_start3A_17 : memref<128xi32, #tpu.memory_space<vmem>>) semaphore(%run_scoped3A : memref<!tpu.dma_semaphore, #tpu.memory_space<semaphore_mem>>) {add = true}
        %dma_wait3A = arith.constant 0 : i32
        %dma_wait3A_20 = tpu.memref_slice %arg5[%scan3A_15, %dma_wait3A] : memref<40x128xi32, #tpu.memory_space<vmem>> -> memref<1x128xi32, #tpu.memory_space<vmem>>
        %dma_wait3A_21 = tpu.memref_squeeze %dma_wait3A_20 : memref<1x128xi32, #tpu.memory_space<vmem>> -> memref<128xi32, #tpu.memory_space<vmem>>
        %dma_wait3A_22 = arith.constant 0 : i32
        %dma_wait3A_23 = tpu.memref_slice %arg7[%dma_wait3A_22] : memref<10240xf32, #tpu.memory_space<vmem_shared>> -> memref<10240xf32, #tpu.memory_space<vmem_shared>>
        tpu.wait_indirect_dma semaphore(%run_scoped3A : memref<!tpu.dma_semaphore, #tpu.memory_space<semaphore_mem>>) src(%arg6 : memref<128xf32, #tpu.memory_space<vmem>>) dst(%dma_wait3A_23 : memref<10240xf32, #tpu.memory_space<vmem_shared>>)
        tpu.yield
      }) : () -> ()
    }
    %scan3A_9 = arith.constant 40 : i32
    %barrier3A_10 = arith.constant 0 : index
    tpu.barrier barrier_id(%barrier3A_10)
    %mul3A_11 = arith.constant 640 : i32
    %mul3A_12 = arith.muli %arg1, %mul3A_11 : i32
    %mul3A_13 = arith.constant 640 : i32
    %mul3A_14 = arith.muli %arg1, %mul3A_13 : i32
    "tpu.region"() ({
      %run_scoped3A = tpu.sem_alloc : memref<!tpu.dma_semaphore, #tpu.memory_space<semaphore_mem>>
      %dma_start3A = tpu.memref_slice %arg4[%arg0, %mul3A_14] : memref<2x10240xf32, #tpu.memory_space<hbm>> -> memref<1x640xf32, #tpu.memory_space<hbm>>
      %dma_start3A_15 = tpu.memref_squeeze %dma_start3A : memref<1x640xf32, #tpu.memory_space<hbm>> -> memref<640xf32, #tpu.memory_space<hbm>>
      %dma_start3A_16 = tpu.memref_slice %arg7[%mul3A_12] : memref<10240xf32, #tpu.memory_space<vmem_shared>> -> memref<640xf32, #tpu.memory_space<vmem_shared>>
      tpu.enqueue_dma source(%dma_start3A_16 : memref<640xf32, #tpu.memory_space<vmem_shared>>) target(%dma_start3A_15 : memref<640xf32, #tpu.memory_space<hbm>>) target_semaphore(%run_scoped3A : memref<!tpu.dma_semaphore, #tpu.memory_space<semaphore_mem>>)
      %dma_wait3A = tpu.memref_slice %arg4[%arg0, %mul3A_14] : memref<2x10240xf32, #tpu.memory_space<hbm>> -> memref<1x640xf32, #tpu.memory_space<hbm>>
      %dma_wait3A_17 = tpu.memref_squeeze %dma_wait3A : memref<1x640xf32, #tpu.memory_space<hbm>> -> memref<640xf32, #tpu.memory_space<hbm>>
      %dma_wait3A_18 = tpu.memref_slice %arg7[%mul3A_12] : memref<10240xf32, #tpu.memory_space<vmem_shared>> -> memref<640xf32, #tpu.memory_space<vmem_shared>>
      tpu.wait_dma2 semaphore(%run_scoped3A : memref<!tpu.dma_semaphore, #tpu.memory_space<semaphore_mem>>) src(%dma_wait3A_18 : memref<640xf32, #tpu.memory_space<vmem_shared>>) dst(%dma_wait3A_17 : memref<640xf32, #tpu.memory_space<hbm>>)
      tpu.yield
    }) : () -> ()
    return
  }
}

#map = affine_map<(d0, d1) -> (0, 0, 0, 0)>
#map1 = affine_map<(d0, d1) -> (0, 0, 0)>
#map2 = affine_map<(d0, d1) -> (0, 0)>
module attributes {stable_mosaic.version = 14 : i64} {
  func.func @_sc_agg(%arg0: i32, %arg1: i32, %arg2: memref<2x16x82x128xi32, #tpu.memory_space<hbm>>, %arg3: memref<16x80x128xi32, #tpu.memory_space<hbm>>, %arg4: memref<20480x128xf32, #tpu.memory_space<hbm>>, %arg5: memref<2x10112x128xf32, #tpu.memory_space<hbm>>, %arg6: memref<82x128xi32, #tpu.memory_space<vmem>>, %arg7: memref<40x128xi32, #tpu.memory_space<vmem>>, %arg8: memref<128x128xf32, #tpu.memory_space<vmem>>, %arg9: memref<128x128xf32, #tpu.memory_space<vmem>>, %arg10: memref<10112x128xf32, #tpu.memory_space<vmem_shared>>, %arg11: memref<!tpu.dma_semaphore, #tpu.memory_space<semaphore_mem>>, %arg12: memref<!tpu.dma_semaphore, #tpu.memory_space<semaphore_mem>>) attributes {dimension_semantics = [#tpu.dimension_semantics<core_parallel>, #tpu.dimension_semantics<subcore_parallel>], iteration_bounds = array<i64: 2, 16>, scalar_prefetch = 0 : i64, scratch_operands = 7 : i64, tpu.core_type = #tpu.core_type<sc_vector_subcore>, window_params = [{transform_indices = #map}, {transform_indices = #map1}, {transform_indices = #map2}, {transform_indices = #map1}]} {
    "tpu.region"() ({
      %run_scoped3A = tpu.sem_alloc : memref<!tpu.dma_semaphore, #tpu.memory_space<semaphore_mem>>
      %dma_start3A_47 = arith.constant 0 : i32
      %dma_start3A_48 = arith.constant 0 : i32
      %dma_start3A_49 = tpu.memref_slice %arg2[%arg0, %arg1, %dma_start3A_47, %dma_start3A_48] : memref<2x16x82x128xi32, #tpu.memory_space<hbm>> -> memref<1x1x82x128xi32, #tpu.memory_space<hbm>>
      %dma_start3A_50 = tpu.memref_squeeze %dma_start3A_49 : memref<1x1x82x128xi32, #tpu.memory_space<hbm>> -> memref<82x128xi32, #tpu.memory_space<hbm>>
      %dma_start3A_51 = arith.constant 0 : i32
      %dma_start3A_52 = arith.constant 0 : i32
      %dma_start3A_53 = tpu.memref_slice %arg2[%arg0, %arg1, %dma_start3A_51, %dma_start3A_52] : memref<2x16x82x128xi32, #tpu.memory_space<hbm>> -> memref<1x1x82x128xi32, #tpu.memory_space<hbm>>
      %dma_start3A_54 = tpu.memref_squeeze %dma_start3A_53 : memref<1x1x82x128xi32, #tpu.memory_space<hbm>> -> memref<82x128xi32, #tpu.memory_space<hbm>>
      tpu.enqueue_dma source(%dma_start3A_54 : memref<82x128xi32, #tpu.memory_space<hbm>>) target(%arg6 : memref<82x128xi32, #tpu.memory_space<vmem>>) target_semaphore(%run_scoped3A : memref<!tpu.dma_semaphore, #tpu.memory_space<semaphore_mem>>)
      %dma_wait3A_55 = arith.constant 0 : i32
      %dma_wait3A_56 = arith.constant 0 : i32
      %dma_wait3A_57 = tpu.memref_slice %arg2[%arg0, %arg1, %dma_wait3A_55, %dma_wait3A_56] : memref<2x16x82x128xi32, #tpu.memory_space<hbm>> -> memref<1x1x82x128xi32, #tpu.memory_space<hbm>>
      %dma_wait3A_58 = tpu.memref_squeeze %dma_wait3A_57 : memref<1x1x82x128xi32, #tpu.memory_space<hbm>> -> memref<82x128xi32, #tpu.memory_space<hbm>>
      %dma_wait3A_59 = arith.constant 0 : i32
      %dma_wait3A_60 = arith.constant 0 : i32
      %dma_wait3A_61 = tpu.memref_slice %arg2[%arg0, %arg1, %dma_wait3A_59, %dma_wait3A_60] : memref<2x16x82x128xi32, #tpu.memory_space<hbm>> -> memref<1x1x82x128xi32, #tpu.memory_space<hbm>>
      %dma_wait3A_62 = tpu.memref_squeeze %dma_wait3A_61 : memref<1x1x82x128xi32, #tpu.memory_space<hbm>> -> memref<82x128xi32, #tpu.memory_space<hbm>>
      tpu.wait_dma2 semaphore(%run_scoped3A : memref<!tpu.dma_semaphore, #tpu.memory_space<semaphore_mem>>) src(%dma_wait3A_62 : memref<82x128xi32, #tpu.memory_space<hbm>>) dst(%arg6 : memref<82x128xi32, #tpu.memory_space<vmem>>)
      tpu.yield
    }) : () -> ()
    "tpu.region"() ({
      %run_scoped3A = tpu.sem_alloc : memref<!tpu.dma_semaphore, #tpu.memory_space<semaphore_mem>>
      %dma_start3A_47 = arith.constant 0 : i32
      %dma_start3A_48 = arith.constant 0 : i32
      %dma_start3A_49 = tpu.memref_slice %arg3[%arg1, %dma_start3A_47, %dma_start3A_48] : memref<16x80x128xi32, #tpu.memory_space<hbm>> -> memref<1x40x128xi32, #tpu.memory_space<hbm>>
      %dma_start3A_50 = tpu.memref_squeeze %dma_start3A_49 : memref<1x40x128xi32, #tpu.memory_space<hbm>> -> memref<40x128xi32, #tpu.memory_space<hbm>>
      %dma_start3A_51 = arith.constant 0 : i32
      %dma_start3A_52 = arith.constant 0 : i32
      %dma_start3A_53 = tpu.memref_slice %arg3[%arg1, %dma_start3A_51, %dma_start3A_52] : memref<16x80x128xi32, #tpu.memory_space<hbm>> -> memref<1x40x128xi32, #tpu.memory_space<hbm>>
      %dma_start3A_54 = tpu.memref_squeeze %dma_start3A_53 : memref<1x40x128xi32, #tpu.memory_space<hbm>> -> memref<40x128xi32, #tpu.memory_space<hbm>>
      tpu.enqueue_dma source(%dma_start3A_54 : memref<40x128xi32, #tpu.memory_space<hbm>>) target(%arg7 : memref<40x128xi32, #tpu.memory_space<vmem>>) target_semaphore(%run_scoped3A : memref<!tpu.dma_semaphore, #tpu.memory_space<semaphore_mem>>)
      %dma_wait3A_55 = arith.constant 0 : i32
      %dma_wait3A_56 = arith.constant 0 : i32
      %dma_wait3A_57 = tpu.memref_slice %arg3[%arg1, %dma_wait3A_55, %dma_wait3A_56] : memref<16x80x128xi32, #tpu.memory_space<hbm>> -> memref<1x40x128xi32, #tpu.memory_space<hbm>>
      %dma_wait3A_58 = tpu.memref_squeeze %dma_wait3A_57 : memref<1x40x128xi32, #tpu.memory_space<hbm>> -> memref<40x128xi32, #tpu.memory_space<hbm>>
      %dma_wait3A_59 = arith.constant 0 : i32
      %dma_wait3A_60 = arith.constant 0 : i32
      %dma_wait3A_61 = tpu.memref_slice %arg3[%arg1, %dma_wait3A_59, %dma_wait3A_60] : memref<16x80x128xi32, #tpu.memory_space<hbm>> -> memref<1x40x128xi32, #tpu.memory_space<hbm>>
      %dma_wait3A_62 = tpu.memref_squeeze %dma_wait3A_61 : memref<1x40x128xi32, #tpu.memory_space<hbm>> -> memref<40x128xi32, #tpu.memory_space<hbm>>
      tpu.wait_dma2 semaphore(%run_scoped3A : memref<!tpu.dma_semaphore, #tpu.memory_space<semaphore_mem>>) src(%dma_wait3A_62 : memref<40x128xi32, #tpu.memory_space<hbm>>) dst(%arg7 : memref<40x128xi32, #tpu.memory_space<vmem>>)
      tpu.yield
    }) : () -> ()
    %mul3A = arith.constant 10240 : i32
    %mul3A_0 = arith.muli %arg0, %mul3A : i32
    %mul3A_1 = arith.constant 632 : i32
    %mul3A_2 = arith.muli %arg1, %mul3A_1 : i32
    %add3A = arith.addi %mul3A_0, %mul3A_2 : i32
    %mul3A_3 = arith.constant 632 : i32
    %mul3A_4 = arith.muli %arg1, %mul3A_3 : i32
    "tpu.region"() ({
      %run_scoped3A = tpu.sem_alloc : memref<!tpu.dma_semaphore, #tpu.memory_space<semaphore_mem>>
      %dma_start3A_47 = arith.constant 0 : i32
      %dma_start3A_48 = tpu.memref_slice %arg10[%mul3A_4, %dma_start3A_47] : memref<10112x128xf32, #tpu.memory_space<vmem_shared>> -> memref<632x128xf32, #tpu.memory_space<vmem_shared>>
      %dma_start3A_49 = arith.constant 0 : i32
      %dma_start3A_50 = tpu.memref_slice %arg4[%add3A, %dma_start3A_49] : memref<20480x128xf32, #tpu.memory_space<hbm>> -> memref<632x128xf32, #tpu.memory_space<hbm>>
      tpu.enqueue_dma source(%dma_start3A_50 : memref<632x128xf32, #tpu.memory_space<hbm>>) target(%dma_start3A_48 : memref<632x128xf32, #tpu.memory_space<vmem_shared>>) target_semaphore(%run_scoped3A : memref<!tpu.dma_semaphore, #tpu.memory_space<semaphore_mem>>)
      %dma_wait3A_51 = arith.constant 0 : i32
      %dma_wait3A_52 = tpu.memref_slice %arg10[%mul3A_4, %dma_wait3A_51] : memref<10112x128xf32, #tpu.memory_space<vmem_shared>> -> memref<632x128xf32, #tpu.memory_space<vmem_shared>>
      %dma_wait3A_53 = arith.constant 0 : i32
      %dma_wait3A_54 = tpu.memref_slice %arg4[%add3A, %dma_wait3A_53] : memref<20480x128xf32, #tpu.memory_space<hbm>> -> memref<632x128xf32, #tpu.memory_space<hbm>>
      tpu.wait_dma2 semaphore(%run_scoped3A : memref<!tpu.dma_semaphore, #tpu.memory_space<semaphore_mem>>) src(%dma_wait3A_54 : memref<632x128xf32, #tpu.memory_space<hbm>>) dst(%dma_wait3A_52 : memref<632x128xf32, #tpu.memory_space<vmem_shared>>)
      tpu.yield
    }) : () -> ()
    %barrier3A = arith.constant 0 : index
    tpu.barrier barrier_id(%barrier3A)
    %dma_start3A = arith.constant 0 : i32
    %dma_start3A_5 = arith.constant 0 : i32
    %dma_start3A_6 = tpu.memref_slice %arg6[%dma_start3A, %dma_start3A_5] : memref<82x128xi32, #tpu.memory_space<vmem>> -> memref<1x128xi32, #tpu.memory_space<vmem>>
    %dma_start3A_7 = tpu.memref_squeeze %dma_start3A_6 : memref<1x128xi32, #tpu.memory_space<vmem>> -> memref<128xi32, #tpu.memory_space<vmem>>
    %dma_start3A_8 = arith.constant 0 : i32
    %dma_start3A_9 = arith.constant 0 : i32
    %dma_start3A_10 = tpu.memref_slice %arg4[%dma_start3A_8, %dma_start3A_9] : memref<20480x128xf32, #tpu.memory_space<hbm>> -> memref<20480x128xf32, #tpu.memory_space<hbm>>
    tpu.enqueue_indirect_dma source(%dma_start3A_10 : memref<20480x128xf32, #tpu.memory_space<hbm>>) target(%arg8 : memref<128x128xf32, #tpu.memory_space<vmem>>) offsets(%dma_start3A_7 : memref<128xi32, #tpu.memory_space<vmem>>) semaphore(%arg11 : memref<!tpu.dma_semaphore, #tpu.memory_space<semaphore_mem>>)
    %dma_start3A_11 = arith.constant 1 : i32
    %dma_start3A_12 = arith.constant 0 : i32
    %dma_start3A_13 = tpu.memref_slice %arg6[%dma_start3A_11, %dma_start3A_12] : memref<82x128xi32, #tpu.memory_space<vmem>> -> memref<1x128xi32, #tpu.memory_space<vmem>>
    %dma_start3A_14 = tpu.memref_squeeze %dma_start3A_13 : memref<1x128xi32, #tpu.memory_space<vmem>> -> memref<128xi32, #tpu.memory_space<vmem>>
    %dma_start3A_15 = arith.constant 0 : i32
    %dma_start3A_16 = arith.constant 0 : i32
    %dma_start3A_17 = tpu.memref_slice %arg4[%dma_start3A_15, %dma_start3A_16] : memref<20480x128xf32, #tpu.memory_space<hbm>> -> memref<20480x128xf32, #tpu.memory_space<hbm>>
    tpu.enqueue_indirect_dma source(%dma_start3A_17 : memref<20480x128xf32, #tpu.memory_space<hbm>>) target(%arg9 : memref<128x128xf32, #tpu.memory_space<vmem>>) offsets(%dma_start3A_14 : memref<128xi32, #tpu.memory_space<vmem>>) semaphore(%arg12 : memref<!tpu.dma_semaphore, #tpu.memory_space<semaphore_mem>>)
    %scan3A = arith.constant 0 : i32
    %scan3A_18 = arith.constant 0 : i32
    %scan3A_19 = arith.constant 20 : i32
    %scan3A_20 = arith.addi %scan3A_18, %scan3A_19 : i32
    %scan3A_21 = arith.constant 1 : i32
    scf.for %scan3A_47 = %scan3A_18 to %scan3A_20 step %scan3A_21  : i32 {
      %mul3A_48 = arith.constant 2 : i32
      %mul3A_49 = arith.muli %mul3A_48, %scan3A_47 : i32
      %dma_wait3A_50 = arith.constant 0 : i32
      %dma_wait3A_51 = tpu.memref_slice %arg6[%mul3A_49, %dma_wait3A_50] : memref<82x128xi32, #tpu.memory_space<vmem>> -> memref<1x128xi32, #tpu.memory_space<vmem>>
      %dma_wait3A_52 = tpu.memref_squeeze %dma_wait3A_51 : memref<1x128xi32, #tpu.memory_space<vmem>> -> memref<128xi32, #tpu.memory_space<vmem>>
      %dma_wait3A_53 = arith.constant 0 : i32
      %dma_wait3A_54 = arith.constant 0 : i32
      %dma_wait3A_55 = tpu.memref_slice %arg4[%dma_wait3A_53, %dma_wait3A_54] : memref<20480x128xf32, #tpu.memory_space<hbm>> -> memref<20480x128xf32, #tpu.memory_space<hbm>>
      tpu.wait_indirect_dma semaphore(%arg11 : memref<!tpu.dma_semaphore, #tpu.memory_space<semaphore_mem>>) src(%dma_wait3A_55 : memref<20480x128xf32, #tpu.memory_space<hbm>>) dst(%arg8 : memref<128x128xf32, #tpu.memory_space<vmem>>)
      %sub3A = arith.constant 0 : i32
      %sub3A_56 = arith.subi %mul3A_49, %sub3A : i32
      "tpu.region"() ({
        %run_scoped3A = tpu.sem_alloc : memref<!tpu.dma_semaphore, #tpu.memory_space<semaphore_mem>>
        %dma_start3A_83 = arith.constant 0 : i32
        %dma_start3A_84 = tpu.memref_slice %arg7[%sub3A_56, %dma_start3A_83] : memref<40x128xi32, #tpu.memory_space<vmem>> -> memref<1x128xi32, #tpu.memory_space<vmem>>
        %dma_start3A_85 = tpu.memref_squeeze %dma_start3A_84 : memref<1x128xi32, #tpu.memory_space<vmem>> -> memref<128xi32, #tpu.memory_space<vmem>>
        %dma_start3A_86 = arith.constant 0 : i32
        %dma_start3A_87 = arith.constant 0 : i32
        %dma_start3A_88 = tpu.memref_slice %arg10[%dma_start3A_86, %dma_start3A_87] : memref<10112x128xf32, #tpu.memory_space<vmem_shared>> -> memref<10112x128xf32, #tpu.memory_space<vmem_shared>>
        tpu.enqueue_indirect_dma source(%arg8 : memref<128x128xf32, #tpu.memory_space<vmem>>) target(%dma_start3A_88 : memref<10112x128xf32, #tpu.memory_space<vmem_shared>>) offsets(%dma_start3A_85 : memref<128xi32, #tpu.memory_space<vmem>>) semaphore(%run_scoped3A : memref<!tpu.dma_semaphore, #tpu.memory_space<semaphore_mem>>) {add = true}
        %dma_wait3A_89 = arith.constant 0 : i32
        %dma_wait3A_90 = tpu.memref_slice %arg7[%sub3A_56, %dma_wait3A_89] : memref<40x128xi32, #tpu.memory_space<vmem>> -> memref<1x128xi32, #tpu.memory_space<vmem>>
        %dma_wait3A_91 = tpu.memref_squeeze %dma_wait3A_90 : memref<1x128xi32, #tpu.memory_space<vmem>> -> memref<128xi32, #tpu.memory_space<vmem>>
        %dma_wait3A_92 = arith.constant 0 : i32
        %dma_wait3A_93 = arith.constant 0 : i32
        %dma_wait3A_94 = tpu.memref_slice %arg10[%dma_wait3A_92, %dma_wait3A_93] : memref<10112x128xf32, #tpu.memory_space<vmem_shared>> -> memref<10112x128xf32, #tpu.memory_space<vmem_shared>>
        tpu.wait_indirect_dma semaphore(%run_scoped3A : memref<!tpu.dma_semaphore, #tpu.memory_space<semaphore_mem>>) src(%arg8 : memref<128x128xf32, #tpu.memory_space<vmem>>) dst(%dma_wait3A_94 : memref<10112x128xf32, #tpu.memory_space<vmem_shared>>)
        tpu.yield
      }) : () -> ()
      %add3A_57 = arith.constant 2 : i32
      %add3A_58 = arith.addi %mul3A_49, %add3A_57 : i32
      %dma_start3A_59 = arith.constant 0 : i32
      %dma_start3A_60 = tpu.memref_slice %arg6[%add3A_58, %dma_start3A_59] : memref<82x128xi32, #tpu.memory_space<vmem>> -> memref<1x128xi32, #tpu.memory_space<vmem>>
      %dma_start3A_61 = tpu.memref_squeeze %dma_start3A_60 : memref<1x128xi32, #tpu.memory_space<vmem>> -> memref<128xi32, #tpu.memory_space<vmem>>
      %dma_start3A_62 = arith.constant 0 : i32
      %dma_start3A_63 = arith.constant 0 : i32
      %dma_start3A_64 = tpu.memref_slice %arg4[%dma_start3A_62, %dma_start3A_63] : memref<20480x128xf32, #tpu.memory_space<hbm>> -> memref<20480x128xf32, #tpu.memory_space<hbm>>
      tpu.enqueue_indirect_dma source(%dma_start3A_64 : memref<20480x128xf32, #tpu.memory_space<hbm>>) target(%arg8 : memref<128x128xf32, #tpu.memory_space<vmem>>) offsets(%dma_start3A_61 : memref<128xi32, #tpu.memory_space<vmem>>) semaphore(%arg11 : memref<!tpu.dma_semaphore, #tpu.memory_space<semaphore_mem>>)
      %add3A_65 = arith.constant 1 : i32
      %add3A_66 = arith.addi %mul3A_49, %add3A_65 : i32
      %dma_wait3A_67 = arith.constant 0 : i32
      %dma_wait3A_68 = tpu.memref_slice %arg6[%add3A_66, %dma_wait3A_67] : memref<82x128xi32, #tpu.memory_space<vmem>> -> memref<1x128xi32, #tpu.memory_space<vmem>>
      %dma_wait3A_69 = tpu.memref_squeeze %dma_wait3A_68 : memref<1x128xi32, #tpu.memory_space<vmem>> -> memref<128xi32, #tpu.memory_space<vmem>>
      %dma_wait3A_70 = arith.constant 0 : i32
      %dma_wait3A_71 = arith.constant 0 : i32
      %dma_wait3A_72 = tpu.memref_slice %arg4[%dma_wait3A_70, %dma_wait3A_71] : memref<20480x128xf32, #tpu.memory_space<hbm>> -> memref<20480x128xf32, #tpu.memory_space<hbm>>
      tpu.wait_indirect_dma semaphore(%arg12 : memref<!tpu.dma_semaphore, #tpu.memory_space<semaphore_mem>>) src(%dma_wait3A_72 : memref<20480x128xf32, #tpu.memory_space<hbm>>) dst(%arg9 : memref<128x128xf32, #tpu.memory_space<vmem>>)
      %sub3A_73 = arith.constant 0 : i32
      %sub3A_74 = arith.subi %add3A_66, %sub3A_73 : i32
      "tpu.region"() ({
        %run_scoped3A = tpu.sem_alloc : memref<!tpu.dma_semaphore, #tpu.memory_space<semaphore_mem>>
        %dma_start3A_83 = arith.constant 0 : i32
        %dma_start3A_84 = tpu.memref_slice %arg7[%sub3A_74, %dma_start3A_83] : memref<40x128xi32, #tpu.memory_space<vmem>> -> memref<1x128xi32, #tpu.memory_space<vmem>>
        %dma_start3A_85 = tpu.memref_squeeze %dma_start3A_84 : memref<1x128xi32, #tpu.memory_space<vmem>> -> memref<128xi32, #tpu.memory_space<vmem>>
        %dma_start3A_86 = arith.constant 0 : i32
        %dma_start3A_87 = arith.constant 0 : i32
        %dma_start3A_88 = tpu.memref_slice %arg10[%dma_start3A_86, %dma_start3A_87] : memref<10112x128xf32, #tpu.memory_space<vmem_shared>> -> memref<10112x128xf32, #tpu.memory_space<vmem_shared>>
        tpu.enqueue_indirect_dma source(%arg9 : memref<128x128xf32, #tpu.memory_space<vmem>>) target(%dma_start3A_88 : memref<10112x128xf32, #tpu.memory_space<vmem_shared>>) offsets(%dma_start3A_85 : memref<128xi32, #tpu.memory_space<vmem>>) semaphore(%run_scoped3A : memref<!tpu.dma_semaphore, #tpu.memory_space<semaphore_mem>>) {add = true}
        %dma_wait3A_89 = arith.constant 0 : i32
        %dma_wait3A_90 = tpu.memref_slice %arg7[%sub3A_74, %dma_wait3A_89] : memref<40x128xi32, #tpu.memory_space<vmem>> -> memref<1x128xi32, #tpu.memory_space<vmem>>
        %dma_wait3A_91 = tpu.memref_squeeze %dma_wait3A_90 : memref<1x128xi32, #tpu.memory_space<vmem>> -> memref<128xi32, #tpu.memory_space<vmem>>
        %dma_wait3A_92 = arith.constant 0 : i32
        %dma_wait3A_93 = arith.constant 0 : i32
        %dma_wait3A_94 = tpu.memref_slice %arg10[%dma_wait3A_92, %dma_wait3A_93] : memref<10112x128xf32, #tpu.memory_space<vmem_shared>> -> memref<10112x128xf32, #tpu.memory_space<vmem_shared>>
        tpu.wait_indirect_dma semaphore(%run_scoped3A : memref<!tpu.dma_semaphore, #tpu.memory_space<semaphore_mem>>) src(%arg9 : memref<128x128xf32, #tpu.memory_space<vmem>>) dst(%dma_wait3A_94 : memref<10112x128xf32, #tpu.memory_space<vmem_shared>>)
        tpu.yield
      }) : () -> ()
      %add3A_75 = arith.constant 2 : i32
      %add3A_76 = arith.addi %add3A_66, %add3A_75 : i32
      %dma_start3A_77 = arith.constant 0 : i32
      %dma_start3A_78 = tpu.memref_slice %arg6[%add3A_76, %dma_start3A_77] : memref<82x128xi32, #tpu.memory_space<vmem>> -> memref<1x128xi32, #tpu.memory_space<vmem>>
      %dma_start3A_79 = tpu.memref_squeeze %dma_start3A_78 : memref<1x128xi32, #tpu.memory_space<vmem>> -> memref<128xi32, #tpu.memory_space<vmem>>
      %dma_start3A_80 = arith.constant 0 : i32
      %dma_start3A_81 = arith.constant 0 : i32
      %dma_start3A_82 = tpu.memref_slice %arg4[%dma_start3A_80, %dma_start3A_81] : memref<20480x128xf32, #tpu.memory_space<hbm>> -> memref<20480x128xf32, #tpu.memory_space<hbm>>
      tpu.enqueue_indirect_dma source(%dma_start3A_82 : memref<20480x128xf32, #tpu.memory_space<hbm>>) target(%arg9 : memref<128x128xf32, #tpu.memory_space<vmem>>) offsets(%dma_start3A_79 : memref<128xi32, #tpu.memory_space<vmem>>) semaphore(%arg12 : memref<!tpu.dma_semaphore, #tpu.memory_space<semaphore_mem>>)
    }
    %scan3A_22 = arith.constant 20 : i32
    "tpu.region"() ({
      %run_scoped3A = tpu.sem_alloc : memref<!tpu.dma_semaphore, #tpu.memory_space<semaphore_mem>>
      %dma_start3A_47 = arith.constant 40 : i32
      %dma_start3A_48 = arith.constant 0 : i32
      %dma_start3A_49 = tpu.memref_slice %arg3[%arg1, %dma_start3A_47, %dma_start3A_48] : memref<16x80x128xi32, #tpu.memory_space<hbm>> -> memref<1x40x128xi32, #tpu.memory_space<hbm>>
      %dma_start3A_50 = tpu.memref_squeeze %dma_start3A_49 : memref<1x40x128xi32, #tpu.memory_space<hbm>> -> memref<40x128xi32, #tpu.memory_space<hbm>>
      %dma_start3A_51 = arith.constant 40 : i32
      %dma_start3A_52 = arith.constant 0 : i32
      %dma_start3A_53 = tpu.memref_slice %arg3[%arg1, %dma_start3A_51, %dma_start3A_52] : memref<16x80x128xi32, #tpu.memory_space<hbm>> -> memref<1x40x128xi32, #tpu.memory_space<hbm>>
      %dma_start3A_54 = tpu.memref_squeeze %dma_start3A_53 : memref<1x40x128xi32, #tpu.memory_space<hbm>> -> memref<40x128xi32, #tpu.memory_space<hbm>>
      tpu.enqueue_dma source(%dma_start3A_54 : memref<40x128xi32, #tpu.memory_space<hbm>>) target(%arg7 : memref<40x128xi32, #tpu.memory_space<vmem>>) target_semaphore(%run_scoped3A : memref<!tpu.dma_semaphore, #tpu.memory_space<semaphore_mem>>)
      %dma_wait3A_55 = arith.constant 40 : i32
      %dma_wait3A_56 = arith.constant 0 : i32
      %dma_wait3A_57 = tpu.memref_slice %arg3[%arg1, %dma_wait3A_55, %dma_wait3A_56] : memref<16x80x128xi32, #tpu.memory_space<hbm>> -> memref<1x40x128xi32, #tpu.memory_space<hbm>>
      %dma_wait3A_58 = tpu.memref_squeeze %dma_wait3A_57 : memref<1x40x128xi32, #tpu.memory_space<hbm>> -> memref<40x128xi32, #tpu.memory_space<hbm>>
      %dma_wait3A_59 = arith.constant 40 : i32
      %dma_wait3A_60 = arith.constant 0 : i32
      %dma_wait3A_61 = tpu.memref_slice %arg3[%arg1, %dma_wait3A_59, %dma_wait3A_60] : memref<16x80x128xi32, #tpu.memory_space<hbm>> -> memref<1x40x128xi32, #tpu.memory_space<hbm>>
      %dma_wait3A_62 = tpu.memref_squeeze %dma_wait3A_61 : memref<1x40x128xi32, #tpu.memory_space<hbm>> -> memref<40x128xi32, #tpu.memory_space<hbm>>
      tpu.wait_dma2 semaphore(%run_scoped3A : memref<!tpu.dma_semaphore, #tpu.memory_space<semaphore_mem>>) src(%dma_wait3A_62 : memref<40x128xi32, #tpu.memory_space<hbm>>) dst(%arg7 : memref<40x128xi32, #tpu.memory_space<vmem>>)
      tpu.yield
    }) : () -> ()
    %scan3A_23 = arith.constant 0 : i32
    %scan3A_24 = arith.constant 20 : i32
    %scan3A_25 = arith.constant 20 : i32
    %scan3A_26 = arith.addi %scan3A_24, %scan3A_25 : i32
    %scan3A_27 = arith.constant 1 : i32
    scf.for %scan3A_47 = %scan3A_24 to %scan3A_26 step %scan3A_27  : i32 {
      %mul3A_48 = arith.constant 2 : i32
      %mul3A_49 = arith.muli %mul3A_48, %scan3A_47 : i32
      %dma_wait3A_50 = arith.constant 0 : i32
      %dma_wait3A_51 = tpu.memref_slice %arg6[%mul3A_49, %dma_wait3A_50] : memref<82x128xi32, #tpu.memory_space<vmem>> -> memref<1x128xi32, #tpu.memory_space<vmem>>
      %dma_wait3A_52 = tpu.memref_squeeze %dma_wait3A_51 : memref<1x128xi32, #tpu.memory_space<vmem>> -> memref<128xi32, #tpu.memory_space<vmem>>
      %dma_wait3A_53 = arith.constant 0 : i32
      %dma_wait3A_54 = arith.constant 0 : i32
      %dma_wait3A_55 = tpu.memref_slice %arg4[%dma_wait3A_53, %dma_wait3A_54] : memref<20480x128xf32, #tpu.memory_space<hbm>> -> memref<20480x128xf32, #tpu.memory_space<hbm>>
      tpu.wait_indirect_dma semaphore(%arg11 : memref<!tpu.dma_semaphore, #tpu.memory_space<semaphore_mem>>) src(%dma_wait3A_55 : memref<20480x128xf32, #tpu.memory_space<hbm>>) dst(%arg8 : memref<128x128xf32, #tpu.memory_space<vmem>>)
      %sub3A = arith.constant 40 : i32
      %sub3A_56 = arith.subi %mul3A_49, %sub3A : i32
      "tpu.region"() ({
        %run_scoped3A = tpu.sem_alloc : memref<!tpu.dma_semaphore, #tpu.memory_space<semaphore_mem>>
        %dma_start3A_83 = arith.constant 0 : i32
        %dma_start3A_84 = tpu.memref_slice %arg7[%sub3A_56, %dma_start3A_83] : memref<40x128xi32, #tpu.memory_space<vmem>> -> memref<1x128xi32, #tpu.memory_space<vmem>>
        %dma_start3A_85 = tpu.memref_squeeze %dma_start3A_84 : memref<1x128xi32, #tpu.memory_space<vmem>> -> memref<128xi32, #tpu.memory_space<vmem>>
        %dma_start3A_86 = arith.constant 0 : i32
        %dma_start3A_87 = arith.constant 0 : i32
        %dma_start3A_88 = tpu.memref_slice %arg10[%dma_start3A_86, %dma_start3A_87] : memref<10112x128xf32, #tpu.memory_space<vmem_shared>> -> memref<10112x128xf32, #tpu.memory_space<vmem_shared>>
        tpu.enqueue_indirect_dma source(%arg8 : memref<128x128xf32, #tpu.memory_space<vmem>>) target(%dma_start3A_88 : memref<10112x128xf32, #tpu.memory_space<vmem_shared>>) offsets(%dma_start3A_85 : memref<128xi32, #tpu.memory_space<vmem>>) semaphore(%run_scoped3A : memref<!tpu.dma_semaphore, #tpu.memory_space<semaphore_mem>>) {add = true}
        %dma_wait3A_89 = arith.constant 0 : i32
        %dma_wait3A_90 = tpu.memref_slice %arg7[%sub3A_56, %dma_wait3A_89] : memref<40x128xi32, #tpu.memory_space<vmem>> -> memref<1x128xi32, #tpu.memory_space<vmem>>
        %dma_wait3A_91 = tpu.memref_squeeze %dma_wait3A_90 : memref<1x128xi32, #tpu.memory_space<vmem>> -> memref<128xi32, #tpu.memory_space<vmem>>
        %dma_wait3A_92 = arith.constant 0 : i32
        %dma_wait3A_93 = arith.constant 0 : i32
        %dma_wait3A_94 = tpu.memref_slice %arg10[%dma_wait3A_92, %dma_wait3A_93] : memref<10112x128xf32, #tpu.memory_space<vmem_shared>> -> memref<10112x128xf32, #tpu.memory_space<vmem_shared>>
        tpu.wait_indirect_dma semaphore(%run_scoped3A : memref<!tpu.dma_semaphore, #tpu.memory_space<semaphore_mem>>) src(%arg8 : memref<128x128xf32, #tpu.memory_space<vmem>>) dst(%dma_wait3A_94 : memref<10112x128xf32, #tpu.memory_space<vmem_shared>>)
        tpu.yield
      }) : () -> ()
      %add3A_57 = arith.constant 2 : i32
      %add3A_58 = arith.addi %mul3A_49, %add3A_57 : i32
      %dma_start3A_59 = arith.constant 0 : i32
      %dma_start3A_60 = tpu.memref_slice %arg6[%add3A_58, %dma_start3A_59] : memref<82x128xi32, #tpu.memory_space<vmem>> -> memref<1x128xi32, #tpu.memory_space<vmem>>
      %dma_start3A_61 = tpu.memref_squeeze %dma_start3A_60 : memref<1x128xi32, #tpu.memory_space<vmem>> -> memref<128xi32, #tpu.memory_space<vmem>>
      %dma_start3A_62 = arith.constant 0 : i32
      %dma_start3A_63 = arith.constant 0 : i32
      %dma_start3A_64 = tpu.memref_slice %arg4[%dma_start3A_62, %dma_start3A_63] : memref<20480x128xf32, #tpu.memory_space<hbm>> -> memref<20480x128xf32, #tpu.memory_space<hbm>>
      tpu.enqueue_indirect_dma source(%dma_start3A_64 : memref<20480x128xf32, #tpu.memory_space<hbm>>) target(%arg8 : memref<128x128xf32, #tpu.memory_space<vmem>>) offsets(%dma_start3A_61 : memref<128xi32, #tpu.memory_space<vmem>>) semaphore(%arg11 : memref<!tpu.dma_semaphore, #tpu.memory_space<semaphore_mem>>)
      %add3A_65 = arith.constant 1 : i32
      %add3A_66 = arith.addi %mul3A_49, %add3A_65 : i32
      %dma_wait3A_67 = arith.constant 0 : i32
      %dma_wait3A_68 = tpu.memref_slice %arg6[%add3A_66, %dma_wait3A_67] : memref<82x128xi32, #tpu.memory_space<vmem>> -> memref<1x128xi32, #tpu.memory_space<vmem>>
      %dma_wait3A_69 = tpu.memref_squeeze %dma_wait3A_68 : memref<1x128xi32, #tpu.memory_space<vmem>> -> memref<128xi32, #tpu.memory_space<vmem>>
      %dma_wait3A_70 = arith.constant 0 : i32
      %dma_wait3A_71 = arith.constant 0 : i32
      %dma_wait3A_72 = tpu.memref_slice %arg4[%dma_wait3A_70, %dma_wait3A_71] : memref<20480x128xf32, #tpu.memory_space<hbm>> -> memref<20480x128xf32, #tpu.memory_space<hbm>>
      tpu.wait_indirect_dma semaphore(%arg12 : memref<!tpu.dma_semaphore, #tpu.memory_space<semaphore_mem>>) src(%dma_wait3A_72 : memref<20480x128xf32, #tpu.memory_space<hbm>>) dst(%arg9 : memref<128x128xf32, #tpu.memory_space<vmem>>)
      %sub3A_73 = arith.constant 40 : i32
      %sub3A_74 = arith.subi %add3A_66, %sub3A_73 : i32
      "tpu.region"() ({
        %run_scoped3A = tpu.sem_alloc : memref<!tpu.dma_semaphore, #tpu.memory_space<semaphore_mem>>
        %dma_start3A_83 = arith.constant 0 : i32
        %dma_start3A_84 = tpu.memref_slice %arg7[%sub3A_74, %dma_start3A_83] : memref<40x128xi32, #tpu.memory_space<vmem>> -> memref<1x128xi32, #tpu.memory_space<vmem>>
        %dma_start3A_85 = tpu.memref_squeeze %dma_start3A_84 : memref<1x128xi32, #tpu.memory_space<vmem>> -> memref<128xi32, #tpu.memory_space<vmem>>
        %dma_start3A_86 = arith.constant 0 : i32
        %dma_start3A_87 = arith.constant 0 : i32
        %dma_start3A_88 = tpu.memref_slice %arg10[%dma_start3A_86, %dma_start3A_87] : memref<10112x128xf32, #tpu.memory_space<vmem_shared>> -> memref<10112x128xf32, #tpu.memory_space<vmem_shared>>
        tpu.enqueue_indirect_dma source(%arg9 : memref<128x128xf32, #tpu.memory_space<vmem>>) target(%dma_start3A_88 : memref<10112x128xf32, #tpu.memory_space<vmem_shared>>) offsets(%dma_start3A_85 : memref<128xi32, #tpu.memory_space<vmem>>) semaphore(%run_scoped3A : memref<!tpu.dma_semaphore, #tpu.memory_space<semaphore_mem>>) {add = true}
        %dma_wait3A_89 = arith.constant 0 : i32
        %dma_wait3A_90 = tpu.memref_slice %arg7[%sub3A_74, %dma_wait3A_89] : memref<40x128xi32, #tpu.memory_space<vmem>> -> memref<1x128xi32, #tpu.memory_space<vmem>>
        %dma_wait3A_91 = tpu.memref_squeeze %dma_wait3A_90 : memref<1x128xi32, #tpu.memory_space<vmem>> -> memref<128xi32, #tpu.memory_space<vmem>>
        %dma_wait3A_92 = arith.constant 0 : i32
        %dma_wait3A_93 = arith.constant 0 : i32
        %dma_wait3A_94 = tpu.memref_slice %arg10[%dma_wait3A_92, %dma_wait3A_93] : memref<10112x128xf32, #tpu.memory_space<vmem_shared>> -> memref<10112x128xf32, #tpu.memory_space<vmem_shared>>
        tpu.wait_indirect_dma semaphore(%run_scoped3A : memref<!tpu.dma_semaphore, #tpu.memory_space<semaphore_mem>>) src(%arg9 : memref<128x128xf32, #tpu.memory_space<vmem>>) dst(%dma_wait3A_94 : memref<10112x128xf32, #tpu.memory_space<vmem_shared>>)
        tpu.yield
      }) : () -> ()
      %add3A_75 = arith.constant 2 : i32
      %add3A_76 = arith.addi %add3A_66, %add3A_75 : i32
      %dma_start3A_77 = arith.constant 0 : i32
      %dma_start3A_78 = tpu.memref_slice %arg6[%add3A_76, %dma_start3A_77] : memref<82x128xi32, #tpu.memory_space<vmem>> -> memref<1x128xi32, #tpu.memory_space<vmem>>
      %dma_start3A_79 = tpu.memref_squeeze %dma_start3A_78 : memref<1x128xi32, #tpu.memory_space<vmem>> -> memref<128xi32, #tpu.memory_space<vmem>>
      %dma_start3A_80 = arith.constant 0 : i32
      %dma_start3A_81 = arith.constant 0 : i32
      %dma_start3A_82 = tpu.memref_slice %arg4[%dma_start3A_80, %dma_start3A_81] : memref<20480x128xf32, #tpu.memory_space<hbm>> -> memref<20480x128xf32, #tpu.memory_space<hbm>>
      tpu.enqueue_indirect_dma source(%dma_start3A_82 : memref<20480x128xf32, #tpu.memory_space<hbm>>) target(%arg9 : memref<128x128xf32, #tpu.memory_space<vmem>>) offsets(%dma_start3A_79 : memref<128xi32, #tpu.memory_space<vmem>>) semaphore(%arg12 : memref<!tpu.dma_semaphore, #tpu.memory_space<semaphore_mem>>)
    }
    %scan3A_28 = arith.constant 20 : i32
    %dma_wait3A = arith.constant 80 : i32
    %dma_wait3A_29 = arith.constant 0 : i32
    %dma_wait3A_30 = tpu.memref_slice %arg6[%dma_wait3A, %dma_wait3A_29] : memref<82x128xi32, #tpu.memory_space<vmem>> -> memref<1x128xi32, #tpu.memory_space<vmem>>
    %dma_wait3A_31 = tpu.memref_squeeze %dma_wait3A_30 : memref<1x128xi32, #tpu.memory_space<vmem>> -> memref<128xi32, #tpu.memory_space<vmem>>
    %dma_wait3A_32 = arith.constant 0 : i32
    %dma_wait3A_33 = arith.constant 0 : i32
    %dma_wait3A_34 = tpu.memref_slice %arg4[%dma_wait3A_32, %dma_wait3A_33] : memref<20480x128xf32, #tpu.memory_space<hbm>> -> memref<20480x128xf32, #tpu.memory_space<hbm>>
    tpu.wait_indirect_dma semaphore(%arg11 : memref<!tpu.dma_semaphore, #tpu.memory_space<semaphore_mem>>) src(%dma_wait3A_34 : memref<20480x128xf32, #tpu.memory_space<hbm>>) dst(%arg8 : memref<128x128xf32, #tpu.memory_space<vmem>>)
    %dma_wait3A_35 = arith.constant 81 : i32
    %dma_wait3A_36 = arith.constant 0 : i32
    %dma_wait3A_37 = tpu.memref_slice %arg6[%dma_wait3A_35, %dma_wait3A_36] : memref<82x128xi32, #tpu.memory_space<vmem>> -> memref<1x128xi32, #tpu.memory_space<vmem>>
    %dma_wait3A_38 = tpu.memref_squeeze %dma_wait3A_37 : memref<1x128xi32, #tpu.memory_space<vmem>> -> memref<128xi32, #tpu.memory_space<vmem>>
    %dma_wait3A_39 = arith.constant 0 : i32
    %dma_wait3A_40 = arith.constant 0 : i32
    %dma_wait3A_41 = tpu.memref_slice %arg4[%dma_wait3A_39, %dma_wait3A_40] : memref<20480x128xf32, #tpu.memory_space<hbm>> -> memref<20480x128xf32, #tpu.memory_space<hbm>>
    tpu.wait_indirect_dma semaphore(%arg12 : memref<!tpu.dma_semaphore, #tpu.memory_space<semaphore_mem>>) src(%dma_wait3A_41 : memref<20480x128xf32, #tpu.memory_space<hbm>>) dst(%arg9 : memref<128x128xf32, #tpu.memory_space<vmem>>)
    %barrier3A_42 = arith.constant 0 : index
    tpu.barrier barrier_id(%barrier3A_42)
    %mul3A_43 = arith.constant 632 : i32
    %mul3A_44 = arith.muli %arg1, %mul3A_43 : i32
    %mul3A_45 = arith.constant 632 : i32
    %mul3A_46 = arith.muli %arg1, %mul3A_45 : i32
    "tpu.region"() ({
      %run_scoped3A = tpu.sem_alloc : memref<!tpu.dma_semaphore, #tpu.memory_space<semaphore_mem>>
      %dma_start3A_47 = arith.constant 0 : i32
      %dma_start3A_48 = tpu.memref_slice %arg5[%arg0, %mul3A_46, %dma_start3A_47] : memref<2x10112x128xf32, #tpu.memory_space<hbm>> -> memref<1x632x128xf32, #tpu.memory_space<hbm>>
      %dma_start3A_49 = tpu.memref_squeeze %dma_start3A_48 : memref<1x632x128xf32, #tpu.memory_space<hbm>> -> memref<632x128xf32, #tpu.memory_space<hbm>>
      %dma_start3A_50 = arith.constant 0 : i32
      %dma_start3A_51 = tpu.memref_slice %arg10[%mul3A_44, %dma_start3A_50] : memref<10112x128xf32, #tpu.memory_space<vmem_shared>> -> memref<632x128xf32, #tpu.memory_space<vmem_shared>>
      tpu.enqueue_dma source(%dma_start3A_51 : memref<632x128xf32, #tpu.memory_space<vmem_shared>>) target(%dma_start3A_49 : memref<632x128xf32, #tpu.memory_space<hbm>>) target_semaphore(%run_scoped3A : memref<!tpu.dma_semaphore, #tpu.memory_space<semaphore_mem>>)
      %dma_wait3A_52 = arith.constant 0 : i32
      %dma_wait3A_53 = tpu.memref_slice %arg5[%arg0, %mul3A_46, %dma_wait3A_52] : memref<2x10112x128xf32, #tpu.memory_space<hbm>> -> memref<1x632x128xf32, #tpu.memory_space<hbm>>
      %dma_wait3A_54 = tpu.memref_squeeze %dma_wait3A_53 : memref<1x632x128xf32, #tpu.memory_space<hbm>> -> memref<632x128xf32, #tpu.memory_space<hbm>>
      %dma_wait3A_55 = arith.constant 0 : i32
      %dma_wait3A_56 = tpu.memref_slice %arg10[%mul3A_44, %dma_wait3A_55] : memref<10112x128xf32, #tpu.memory_space<vmem_shared>> -> memref<632x128xf32, #tpu.memory_space<vmem_shared>>
      tpu.wait_dma2 semaphore(%run_scoped3A : memref<!tpu.dma_semaphore, #tpu.memory_space<semaphore_mem>>) src(%dma_wait3A_56 : memref<632x128xf32, #tpu.memory_space<vmem_shared>>) dst(%dma_wait3A_54 : memref<632x128xf32, #tpu.memory_space<hbm>>)
      tpu.yield
    }) : () -> ()
    return
  }
}

module attributes {stable_mosaic.version = 14 : i64} {
  func.func @_tc_b_body(%arg0: memref<2x10240xf32, #tpu.memory_space<vmem>>, %arg1: memref<10240x4xf32, #tpu.memory_space<vmem>>, %arg2: memref<4x256xf32, #tpu.memory_space<vmem>>, %arg3: memref<2x10240x128xf32, #tpu.memory_space<vmem>>, %arg4: memref<10112x8xf32, #tpu.memory_space<vmem>>) attributes {dimension_semantics = [], scalar_prefetch = 0 : i64, scratch_operands = 0 : i64, tpu.core_type = #tpu.core_type<tc>} {
    %get3A = arith.constant 0 : index
    %get3A_0 = arith.constant 0 : index
    %get3A_1 = vector.load %arg0[%get3A, %get3A_0] : memref<2x10240xf32, #tpu.memory_space<vmem>>, vector<1x10240xf32>
    %get3A_2 = vector.shape_cast %get3A_1 : vector<1x10240xf32> to vector<10240xf32>
    %get3A_3 = arith.constant 1 : index
    %get3A_4 = arith.constant 0 : index
    %get3A_5 = vector.load %arg0[%get3A_3, %get3A_4] : memref<2x10240xf32, #tpu.memory_space<vmem>>, vector<1x10240xf32>
    %get3A_6 = vector.shape_cast %get3A_5 : vector<1x10240xf32> to vector<10240xf32>
    %add3A = arith.addf %get3A_2, %get3A_6 : vector<10240xf32>
    %sub3A = arith.constant 1.000000e+00 : f32
    %sub3A_7 = vector.broadcast %sub3A : f32 to vector<10240xf32>
    %sub3A_8 = arith.subf %add3A, %sub3A_7 : vector<10240xf32>
    %max3A = arith.constant 9.99999996E-13 : f32
    %max3A_9 = vector.broadcast %max3A : f32 to vector<10240xf32>
    %max3A_10 = arith.maximumf %sub3A_8, %max3A_9 : vector<10240xf32>
    %rsqrt3A = math.rsqrt %max3A_10 : vector<10240xf32>
    %broadcast_in_dim3A = vector.shape_cast %rsqrt3A : vector<10240xf32> to vector<10240x1xf32>
    %get3A_11 = arith.constant 0 : index
    %get3A_12 = arith.constant 0 : index
    %get3A_13 = vector.load %arg1[%get3A_11, %get3A_12] : memref<10240x4xf32, #tpu.memory_space<vmem>>, vector<10240x4xf32>
    %get3A_14 = arith.constant 0 : index
    %get3A_15 = arith.constant 0 : index
    %get3A_16 = vector.load %arg2[%get3A_14, %get3A_15] : memref<4x256xf32, #tpu.memory_space<vmem>>, vector<4x256xf32>
    %dot_general3A = arith.constant dense<0.000000e+00> : vector<10240x256xf32>
    %dot_general3A_17 = tpu.matmul %get3A_13, %get3A_16, %dot_general3A {dimension_numbers = #tpu.dot_dimension_numbers<[1], [0], [0], [1], [0, 0, 1, 1], [], []>, transpose_lhs_hint = false} : vector<10240x4xf32>, vector<4x256xf32>, vector<10240x256xf32> -> vector<10240x256xf32>
    %mul3A = vector.broadcast %broadcast_in_dim3A : vector<10240x1xf32> to vector<10240x256xf32>
    %mul3A_18 = arith.mulf %dot_general3A_17, %mul3A : vector<10240x256xf32>
    %slice3A = vector.extract_strided_slice %mul3A_18 {offsets = [0, 0], sizes = [10240, 128], strides = [1, 1]} : vector<10240x256xf32> to vector<10240x128xf32>
    %swap3A = arith.constant 0 : index
    %swap3A_19 = arith.constant 0 : index
    %swap3A_20 = arith.constant 0 : index
    %swap3A_21 = vector.load %arg3[%swap3A, %swap3A_19, %swap3A_20] : memref<2x10240x128xf32, #tpu.memory_space<vmem>>, vector<1x10240x128xf32>
    %swap3A_22 = vector.shape_cast %swap3A_21 : vector<1x10240x128xf32> to vector<10240x128xf32>
    %swap3A_23 = vector.shape_cast %slice3A : vector<10240x128xf32> to vector<1x10240x128xf32>
    tpu.vector_store %arg3[%swap3A, %swap3A_19, %swap3A_20], %swap3A_23 {strides = array<i32>} : memref<2x10240x128xf32, #tpu.memory_space<vmem>>, vector<1x10240x128xf32>,
    %slice3A_24 = vector.extract_strided_slice %mul3A_18 {offsets = [0, 128], sizes = [10240, 128], strides = [1, 1]} : vector<10240x256xf32> to vector<10240x128xf32>
    %swap3A_25 = arith.constant 1 : index
    %swap3A_26 = arith.constant 0 : index
    %swap3A_27 = arith.constant 0 : index
    %swap3A_28 = vector.load %arg3[%swap3A_25, %swap3A_26, %swap3A_27] : memref<2x10240x128xf32, #tpu.memory_space<vmem>>, vector<1x10240x128xf32>
    %swap3A_29 = vector.shape_cast %swap3A_28 : vector<1x10240x128xf32> to vector<10240x128xf32>
    %swap3A_30 = vector.shape_cast %slice3A_24 : vector<10240x128xf32> to vector<1x10240x128xf32>
    tpu.vector_store %arg3[%swap3A_25, %swap3A_26, %swap3A_27], %swap3A_30 {strides = array<i32>} : memref<2x10240x128xf32, #tpu.memory_space<vmem>>, vector<1x10240x128xf32>,
    %slice3A_31 = vector.extract_strided_slice %broadcast_in_dim3A {offsets = [0, 0], sizes = [10112, 1], strides = [1, 1]} : vector<10240x1xf32> to vector<10112x1xf32>
    %broadcast_in_dim3A_32 = vector.shape_cast %slice3A_31 : vector<10112x1xf32> to vector<10112x1xf32>
    %broadcast_in_dim3A_33 = vector.broadcast %broadcast_in_dim3A_32 : vector<10112x1xf32> to vector<10112x8xf32>
    %swap3A_34 = arith.constant 0 : index
    %swap3A_35 = arith.constant 0 : index
    %swap3A_36 = vector.load %arg4[%swap3A_34, %swap3A_35] : memref<10112x8xf32, #tpu.memory_space<vmem>>, vector<10112x8xf32>
    tpu.vector_store %arg4[%swap3A_34, %swap3A_35], %broadcast_in_dim3A_33 {strides = array<i32>} : memref<10112x8xf32, #tpu.memory_space<vmem>>, vector<10112x8xf32>,
    return
  }
}

module attributes {stable_mosaic.version = 14 : i64} {
  func.func @_tc_d_body(%arg0: memref<2x10112x128xf32, #tpu.memory_space<vmem>>, %arg1: memref<10112x8xf32, #tpu.memory_space<vmem>>, %arg2: memref<1x256xf32, #tpu.memory_space<vmem>>, %arg3: memref<256x256xf32, #tpu.memory_space<vmem>>, %arg4: memref<2x10240x128xf32, #tpu.memory_space<vmem>>) attributes {dimension_semantics = [], scalar_prefetch = 0 : i64, scratch_operands = 0 : i64, tpu.core_type = #tpu.core_type<tc>} {
    %get3A = arith.constant 0 : index
    %get3A_0 = arith.constant 0 : index
    %get3A_1 = vector.load %arg1[%get3A, %get3A_0] : memref<10112x8xf32, #tpu.memory_space<vmem>>, vector<10112x1xf32>
    %get3A_2 = arith.constant 0 : index
    %get3A_3 = arith.constant 0 : index
    %get3A_4 = arith.constant 0 : index
    %get3A_5 = vector.load %arg0[%get3A_2, %get3A_3, %get3A_4] : memref<2x10112x128xf32, #tpu.memory_space<vmem>>, vector<1x10112x128xf32>
    %get3A_6 = vector.shape_cast %get3A_5 : vector<1x10112x128xf32> to vector<10112x128xf32>
    %get3A_7 = arith.constant 1 : index
    %get3A_8 = arith.constant 0 : index
    %get3A_9 = arith.constant 0 : index
    %get3A_10 = vector.load %arg0[%get3A_7, %get3A_8, %get3A_9] : memref<2x10112x128xf32, #tpu.memory_space<vmem>>, vector<1x10112x128xf32>
    %get3A_11 = vector.shape_cast %get3A_10 : vector<1x10112x128xf32> to vector<10112x128xf32>
    %concatenate3A = tpu.concatenate %get3A_6, %get3A_11 in 1 : vector<10112x128xf32>, vector<10112x128xf32> -> vector<10112x256xf32>
    %mul3A = vector.broadcast %get3A_1 : vector<10112x1xf32> to vector<10112x256xf32>
    %mul3A_12 = arith.mulf %concatenate3A, %mul3A : vector<10112x256xf32>
    %get3A_13 = arith.constant 0 : index
    %get3A_14 = arith.constant 0 : index
    %get3A_15 = vector.load %arg2[%get3A_13, %get3A_14] : memref<1x256xf32, #tpu.memory_space<vmem>>, vector<1x256xf32>
    %add3A = vector.broadcast %get3A_15 : vector<1x256xf32> to vector<10112x256xf32>
    %add3A_16 = arith.addf %mul3A_12, %add3A : vector<10112x256xf32>
    %max3A = arith.constant 0.000000e+00 : f32
    %max3A_17 = vector.broadcast %max3A : f32 to vector<10112x256xf32>
    %max3A_18 = arith.maximumf %add3A_16, %max3A_17 : vector<10112x256xf32>
    %get3A_19 = arith.constant 0 : index
    %get3A_20 = arith.constant 0 : index
    %get3A_21 = vector.load %arg3[%get3A_19, %get3A_20] : memref<256x256xf32, #tpu.memory_space<vmem>>, vector<256x256xf32>
    %dot_general3A = arith.constant dense<0.000000e+00> : vector<10112x256xf32>
    %dot_general3A_22 = tpu.matmul %max3A_18, %get3A_21, %dot_general3A {dimension_numbers = #tpu.dot_dimension_numbers<[1], [0], [0], [1], [0, 0, 1, 1], [], []>, transpose_lhs_hint = false} : vector<10112x256xf32>, vector<256x256xf32>, vector<10112x256xf32> -> vector<10112x256xf32>
    %mul3A_23 = vector.broadcast %get3A_1 : vector<10112x1xf32> to vector<10112x256xf32>
    %mul3A_24 = arith.mulf %dot_general3A_22, %mul3A_23 : vector<10112x256xf32>
    %slice3A = vector.extract_strided_slice %mul3A_24 {offsets = [0, 0], sizes = [10000, 128], strides = [1, 1]} : vector<10112x256xf32> to vector<10000x128xf32>
    %jit3A = arith.constant 0 : i32
    %convert_element_type3A = arith.sitofp %jit3A : i32 to f32
    %pad3A = vector.broadcast %convert_element_type3A : f32 to vector<240x128xf32>
    %pad3A_25 = tpu.concatenate %slice3A, %pad3A in 0 : vector<10000x128xf32>, vector<240x128xf32> -> vector<10240x128xf32>
    %swap3A = arith.constant 0 : index
    %swap3A_26 = arith.constant 0 : index
    %swap3A_27 = arith.constant 0 : index
    %swap3A_28 = vector.load %arg4[%swap3A, %swap3A_26, %swap3A_27] : memref<2x10240x128xf32, #tpu.memory_space<vmem>>, vector<1x10240x128xf32>
    %swap3A_29 = vector.shape_cast %swap3A_28 : vector<1x10240x128xf32> to vector<10240x128xf32>
    %swap3A_30 = vector.shape_cast %pad3A_25 : vector<10240x128xf32> to vector<1x10240x128xf32>
    tpu.vector_store %arg4[%swap3A, %swap3A_26, %swap3A_27], %swap3A_30 {strides = array<i32>} : memref<2x10240x128xf32, #tpu.memory_space<vmem>>, vector<1x10240x128xf32>,
    %slice3A_31 = vector.extract_strided_slice %mul3A_24 {offsets = [0, 128], sizes = [10000, 128], strides = [1, 1]} : vector<10112x256xf32> to vector<10000x128xf32>
    %jit3A_32 = arith.constant 0 : i32
    %convert_element_type3A_33 = arith.sitofp %jit3A_32 : i32 to f32
    %pad3A_34 = vector.broadcast %convert_element_type3A_33 : f32 to vector<240x128xf32>
    %pad3A_35 = tpu.concatenate %slice3A_31, %pad3A_34 in 0 : vector<10000x128xf32>, vector<240x128xf32> -> vector<10240x128xf32>
    %swap3A_36 = arith.constant 1 : index
    %swap3A_37 = arith.constant 0 : index
    %swap3A_38 = arith.constant 0 : index
    %swap3A_39 = vector.load %arg4[%swap3A_36, %swap3A_37, %swap3A_38] : memref<2x10240x128xf32, #tpu.memory_space<vmem>>, vector<1x10240x128xf32>
    %swap3A_40 = vector.shape_cast %swap3A_39 : vector<1x10240x128xf32> to vector<10240x128xf32>
    %swap3A_41 = vector.shape_cast %pad3A_35 : vector<10240x128xf32> to vector<1x10240x128xf32>
    tpu.vector_store %arg4[%swap3A_36, %swap3A_37, %swap3A_38], %swap3A_41 {strides = array<i32>} : memref<2x10240x128xf32, #tpu.memory_space<vmem>>, vector<1x10240x128xf32>,
    return
  }
}

module attributes {stable_mosaic.version = 14 : i64} {
  func.func @_tc_f_body(%arg0: i32, %arg1: memref<2x1264x128xf32, #tpu.memory_space<vmem>>, %arg2: memref<1264x8xf32, #tpu.memory_space<vmem>>, %arg3: memref<1x1x1264xi32, #tpu.memory_space<vmem>>, %arg4: memref<256x256xf32, #tpu.memory_space<vmem>>, %arg5: memref<1x256xf32, #tpu.memory_space<vmem>>, %arg6: memref<256x128xf32, #tpu.memory_space<vmem>>, %arg7: memref<1x128xf32, #tpu.memory_space<vmem>>, %arg8: memref<128x128xf32, #tpu.memory_space<vmem>>, %arg9: memref<1x128xf32, #tpu.memory_space<vmem>>, %arg10: memref<256x128xf32, #tpu.memory_space<vmem>>, %arg11: memref<1x128xf32, #tpu.memory_space<vmem>>, %arg12: memref<128x128xf32, #tpu.memory_space<vmem>>, %arg13: memref<1x128xf32, #tpu.memory_space<vmem>>, %arg14: memref<256x128xf32, #tpu.memory_space<vmem>>, %arg15: memref<1x128xf32, #tpu.memory_space<vmem>>, %arg16: memref<128x64xf32, #tpu.memory_space<vmem>>, %arg17: memref<1x64xf32, #tpu.memory_space<vmem>>, %arg18: memref<64x1xf32, #tpu.memory_space<vmem>>, %arg19: memref<1x1xf32, #tpu.memory_space<vmem>>, %arg20: memref<256x1xf32, #tpu.memory_space<vmem>>, %arg21: memref<256x256xf32, #tpu.memory_space<vmem>>, %arg22: memref<256x128xf32, #tpu.memory_space<vmem>>) attributes {dimension_semantics = [#tpu.dimension_semantics<arbitrary>], iteration_bounds = array<i64: 8>, scalar_prefetch = 0 : i64, scratch_operands = 2 : i64, tpu.core_type = #tpu.core_type<tc>, window_params = [{transform_indices = @transform_0, window_bounds = array<i64: 2, 1264, 128>}, {transform_indices = @transform_1, window_bounds = array<i64: 1264, 8>}, {transform_indices = @transform_2, window_bounds = array<i64: 1, 1, 1264>}, {pipeline_mode = #tpu.pipeline_mode<synchronous>, transform_indices = @transform_3, window_bounds = array<i64: 256, 256>}, {pipeline_mode = #tpu.pipeline_mode<synchronous>, transform_indices = @transform_4, window_bounds = array<i64: 1, 256>}, {pipeline_mode = #tpu.pipeline_mode<synchronous>, transform_indices = @transform_5, window_bounds = array<i64: 256, 128>}, {pipeline_mode = #tpu.pipeline_mode<synchronous>, transform_indices = @transform_6, window_bounds = array<i64: 1, 128>}, {pipeline_mode = #tpu.pipeline_mode<synchronous>, transform_indices = @transform_7, window_bounds = array<i64: 128, 128>}, {pipeline_mode = #tpu.pipeline_mode<synchronous>, transform_indices = @transform_8, window_bounds = array<i64: 1, 128>}, {pipeline_mode = #tpu.pipeline_mode<synchronous>, transform_indices = @transform_9, window_bounds = array<i64: 256, 128>}, {pipeline_mode = #tpu.pipeline_mode<synchronous>, transform_indices = @transform_10, window_bounds = array<i64: 1, 128>}, {pipeline_mode = #tpu.pipeline_mode<synchronous>, transform_indices = @transform_11, window_bounds = array<i64: 128, 128>}, {pipeline_mode = #tpu.pipeline_mode<synchronous>, transform_indices = @transform_12, window_bounds = array<i64: 1, 128>}, {pipeline_mode = #tpu.pipeline_mode<synchronous>, transform_indices = @transform_13, window_bounds = array<i64: 256, 128>}, {pipeline_mode = #tpu.pipeline_mode<synchronous>, transform_indices = @transform_14, window_bounds = array<i64: 1, 128>}, {pipeline_mode = #tpu.pipeline_mode<synchronous>, transform_indices = @transform_15, window_bounds = array<i64: 128, 64>}, {pipeline_mode = #tpu.pipeline_mode<synchronous>, transform_indices = @transform_16, window_bounds = array<i64: 1, 64>}, {pipeline_mode = #tpu.pipeline_mode<synchronous>, transform_indices = @transform_17, window_bounds = array<i64: 64, 1>}, {pipeline_mode = #tpu.pipeline_mode<synchronous>, transform_indices = @transform_18, window_bounds = array<i64: 1, 1>}, {pipeline_mode = #tpu.pipeline_mode<synchronous>, transform_indices = @transform_19, window_bounds = array<i64: 256, 1>}]} {
    %get3A = arith.constant 0 : index
    %get3A_0 = arith.constant 0 : index
    %get3A_1 = vector.load %arg2[%get3A, %get3A_0] : memref<1264x8xf32, #tpu.memory_space<vmem>>, vector<1264x1xf32>
    %get3A_2 = arith.constant 0 : index
    %get3A_3 = arith.constant 0 : index
    %get3A_4 = arith.constant 0 : index
    %get3A_5 = vector.load %arg1[%get3A_2, %get3A_3, %get3A_4] : memref<2x1264x128xf32, #tpu.memory_space<vmem>>, vector<1x1264x128xf32>
    %get3A_6 = vector.shape_cast %get3A_5 : vector<1x1264x128xf32> to vector<1264x128xf32>
    %get3A_7 = arith.constant 1 : index
    %get3A_8 = arith.constant 0 : index
    %get3A_9 = arith.constant 0 : index
    %get3A_10 = vector.load %arg1[%get3A_7, %get3A_8, %get3A_9] : memref<2x1264x128xf32, #tpu.memory_space<vmem>>, vector<1x1264x128xf32>
    %get3A_11 = vector.shape_cast %get3A_10 : vector<1x1264x128xf32> to vector<1264x128xf32>
    %concatenate3A = tpu.concatenate %get3A_6, %get3A_11 in 1 : vector<1264x128xf32>, vector<1264x128xf32> -> vector<1264x256xf32>
    %mul3A = vector.broadcast %get3A_1 : vector<1264x1xf32> to vector<1264x256xf32>
    %mul3A_12 = arith.mulf %concatenate3A, %mul3A : vector<1264x256xf32>
    %get3A_13 = arith.constant 0 : index
    %get3A_14 = arith.constant 0 : index
    %get3A_15 = vector.load %arg5[%get3A_13, %get3A_14] : memref<1x256xf32, #tpu.memory_space<vmem>>, vector<1x256xf32>
    %add3A = vector.broadcast %get3A_15 : vector<1x256xf32> to vector<1264x256xf32>
    %add3A_16 = arith.addf %mul3A_12, %add3A : vector<1264x256xf32>
    %max3A = arith.constant 0.000000e+00 : f32
    %max3A_17 = vector.broadcast %max3A : f32 to vector<1264x256xf32>
    %max3A_18 = arith.maximumf %add3A_16, %max3A_17 : vector<1264x256xf32>
    %get3A_19 = arith.constant 0 : index
    %get3A_20 = arith.constant 0 : index
    %get3A_21 = arith.constant 0 : index
    %get3A_22 = vector.load %arg3[%get3A_19, %get3A_20, %get3A_21] : memref<1x1x1264xi32, #tpu.memory_space<vmem>>, vector<1x1x1264xi32>
    %get3A_23 = vector.shape_cast %get3A_22 : vector<1x1x1264xi32> to vector<1264xi32>
    %broadcast_in_dim3A = vector.shape_cast %get3A_23 : vector<1264xi32> to vector<1x1264xi32>
    %iota3A = tpu.iota {dimensions = array<i32: 0>} : vector<256x1264xi32>
    %eq3A = vector.broadcast %broadcast_in_dim3A : vector<1x1264xi32> to vector<256x1264xi32>
    %eq3A_24 = arith.cmpi eq, %eq3A, %iota3A : vector<256x1264xi32>
    %convert_element_type3A = arith.extui %eq3A_24 : vector<256x1264xi1> to vector<256x1264xi32>
    %convert_element_type3A_25 = arith.sitofp %convert_element_type3A : vector<256x1264xi32> to vector<256x1264xf32>
    %eq3A_26 = arith.constant 0 : i32
    %eq3A_27 = arith.cmpi eq, %arg0, %eq3A_26 : i32
    %convert_element_type3A_28 = arith.extui %eq3A_27 : i1 to i32
    %cond3A = arith.constant 0 : i32
    %cond3A_29 = arith.cmpi ne, %convert_element_type3A_28, %cond3A : i32
    scf.if %cond3A_29 {
      %broadcast_in_dim3A_53 = arith.constant 0.000000e+00 : f32
      %broadcast_in_dim3A_54 = vector.broadcast %broadcast_in_dim3A_53 : f32 to vector<256x256xf32>
      %swap3A_55 = arith.constant 0 : index
      %swap3A_56 = arith.constant 0 : index
      %swap3A_57 = vector.load %arg21[%swap3A_55, %swap3A_56] : memref<256x256xf32, #tpu.memory_space<vmem>>, vector<256x256xf32>
      tpu.vector_store %arg21[%swap3A_55, %swap3A_56], %broadcast_in_dim3A_54 {strides = array<i32>} : memref<256x256xf32, #tpu.memory_space<vmem>>, vector<256x256xf32>,
      %broadcast_in_dim3A_58 = arith.constant 0.000000e+00 : f32
      %broadcast_in_dim3A_59 = vector.broadcast %broadcast_in_dim3A_58 : f32 to vector<256x128xf32>
      %swap3A_60 = arith.constant 0 : index
      %swap3A_61 = arith.constant 0 : index
      %swap3A_62 = vector.load %arg22[%swap3A_60, %swap3A_61] : memref<256x128xf32, #tpu.memory_space<vmem>>, vector<256x128xf32>
      tpu.vector_store %arg22[%swap3A_60, %swap3A_61], %broadcast_in_dim3A_59 {strides = array<i32>} : memref<256x128xf32, #tpu.memory_space<vmem>>, vector<256x128xf32>,
    } else {
    }
    %get3A_30 = arith.constant 0 : index
    %get3A_31 = arith.constant 0 : index
    %get3A_32 = vector.load %arg21[%get3A_30, %get3A_31] : memref<256x256xf32, #tpu.memory_space<vmem>>, vector<256x256xf32>
    %dot_general3A = arith.constant dense<0.000000e+00> : vector<256x256xf32>
    %dot_general3A_33 = tpu.matmul %convert_element_type3A_25, %max3A_18, %dot_general3A {dimension_numbers = #tpu.dot_dimension_numbers<[1], [0], [0], [1], [0, 0, 1, 1], [], []>, transpose_lhs_hint = false} : vector<256x1264xf32>, vector<1264x256xf32>, vector<256x256xf32> -> vector<256x256xf32>
    %add3A_34 = arith.addf %get3A_32, %dot_general3A_33 : vector<256x256xf32>
    %swap3A = arith.constant 0 : index
    %swap3A_35 = arith.constant 0 : index
    %swap3A_36 = vector.load %arg21[%swap3A, %swap3A_35] : memref<256x256xf32, #tpu.memory_space<vmem>>, vector<256x256xf32>
    tpu.vector_store %arg21[%swap3A, %swap3A_35], %add3A_34 {strides = array<i32>} : memref<256x256xf32, #tpu.memory_space<vmem>>, vector<256x256xf32>,
    %get3A_37 = arith.constant 0 : index
    %get3A_38 = arith.constant 0 : index
    %get3A_39 = vector.load %arg22[%get3A_37, %get3A_38] : memref<256x128xf32, #tpu.memory_space<vmem>>, vector<256x128xf32>
    %reduce_sum3A = arith.constant dense<0.000000e+00> : vector<256xf32>
    %reduce_sum3A_40 = vector.multi_reduction <add>, %convert_element_type3A_25, %reduce_sum3A [1] : vector<256x1264xf32> to vector<256xf32>
    %broadcast_in_dim3A_41 = vector.shape_cast %reduce_sum3A_40 : vector<256xf32> to vector<256x1xf32>
    %broadcast_in_dim3A_42 = vector.shape_cast %broadcast_in_dim3A_41 : vector<256x1xf32> to vector<256x1xf32>
    %broadcast_in_dim3A_43 = vector.broadcast %broadcast_in_dim3A_42 : vector<256x1xf32> to vector<256x128xf32>
    %add3A_44 = arith.addf %get3A_39, %broadcast_in_dim3A_43 : vector<256x128xf32>
    %swap3A_45 = arith.constant 0 : index
    %swap3A_46 = arith.constant 0 : index
    %swap3A_47 = vector.load %arg22[%swap3A_45, %swap3A_46] : memref<256x128xf32, #tpu.memory_space<vmem>>, vector<256x128xf32>
    tpu.vector_store %arg22[%swap3A_45, %swap3A_46], %add3A_44 {strides = array<i32>} : memref<256x128xf32, #tpu.memory_space<vmem>>, vector<256x128xf32>,
    %eq3A_48 = arith.constant 7 : i32
    %eq3A_49 = arith.cmpi eq, %arg0, %eq3A_48 : i32
    %convert_element_type3A_50 = arith.extui %eq3A_49 : i1 to i32
    %cond3A_51 = arith.constant 0 : i32
    %cond3A_52 = arith.cmpi ne, %convert_element_type3A_50, %cond3A_51 : i32
    scf.if %cond3A_52 {
      %get3A_53 = arith.constant 0 : index
      %get3A_54 = arith.constant 0 : index
      %get3A_55 = vector.load %arg21[%get3A_53, %get3A_54] : memref<256x256xf32, #tpu.memory_space<vmem>>, vector<256x256xf32>
      %get3A_56 = arith.constant 0 : index
      %get3A_57 = arith.constant 0 : index
      %get3A_58 = vector.load %arg22[%get3A_56, %get3A_57] : memref<256x128xf32, #tpu.memory_space<vmem>>, vector<256x1xf32>
      %max3A_59 = arith.constant 1.000000e+00 : f32
      %max3A_60 = vector.broadcast %max3A_59 : f32 to vector<256x1xf32>
      %max3A_61 = arith.maximumf %get3A_58, %max3A_60 : vector<256x1xf32>
      %div3A = vector.broadcast %max3A_61 : vector<256x1xf32> to vector<256x256xf32>
      %div3A_62 = arith.divf %get3A_55, %div3A : vector<256x256xf32>
      %get3A_63 = arith.constant 0 : index
      %get3A_64 = arith.constant 0 : index
      %get3A_65 = vector.load %arg6[%get3A_63, %get3A_64] : memref<256x128xf32, #tpu.memory_space<vmem>>, vector<256x128xf32>
      %dot_general3A_66 = arith.constant dense<0.000000e+00> : vector<256x128xf32>
      %dot_general3A_67 = tpu.matmul %div3A_62, %get3A_65, %dot_general3A_66 {dimension_numbers = #tpu.dot_dimension_numbers<[1], [0], [0], [1], [0, 0, 1, 1], [], []>, transpose_lhs_hint = false} : vector<256x256xf32>, vector<256x128xf32>, vector<256x128xf32> -> vector<256x128xf32>
      %get3A_68 = arith.constant 0 : index
      %get3A_69 = arith.constant 0 : index
      %get3A_70 = vector.load %arg7[%get3A_68, %get3A_69] : memref<1x128xf32, #tpu.memory_space<vmem>>, vector<1x128xf32>
      %add3A_71 = vector.broadcast %get3A_70 : vector<1x128xf32> to vector<256x128xf32>
      %add3A_72 = arith.addf %dot_general3A_67, %add3A_71 : vector<256x128xf32>
      %max3A_73 = arith.constant 0.000000e+00 : f32
      %max3A_74 = vector.broadcast %max3A_73 : f32 to vector<256x128xf32>
      %max3A_75 = arith.maximumf %add3A_72, %max3A_74 : vector<256x128xf32>
      %get3A_76 = arith.constant 0 : index
      %get3A_77 = arith.constant 0 : index
      %get3A_78 = vector.load %arg8[%get3A_76, %get3A_77] : memref<128x128xf32, #tpu.memory_space<vmem>>, vector<128x128xf32>
      %dot_general3A_79 = arith.constant dense<0.000000e+00> : vector<256x128xf32>
      %dot_general3A_80 = tpu.matmul %max3A_75, %get3A_78, %dot_general3A_79 {dimension_numbers = #tpu.dot_dimension_numbers<[1], [0], [0], [1], [0, 0, 1, 1], [], []>, transpose_lhs_hint = false} : vector<256x128xf32>, vector<128x128xf32>, vector<256x128xf32> -> vector<256x128xf32>
      %get3A_81 = arith.constant 0 : index
      %get3A_82 = arith.constant 0 : index
      %get3A_83 = vector.load %arg9[%get3A_81, %get3A_82] : memref<1x128xf32, #tpu.memory_space<vmem>>, vector<1x128xf32>
      %add3A_84 = vector.broadcast %get3A_83 : vector<1x128xf32> to vector<256x128xf32>
      %add3A_85 = arith.addf %dot_general3A_80, %add3A_84 : vector<256x128xf32>
      %max3A_86 = arith.constant 0.000000e+00 : f32
      %max3A_87 = vector.broadcast %max3A_86 : f32 to vector<256x128xf32>
      %max3A_88 = arith.maximumf %add3A_85, %max3A_87 : vector<256x128xf32>
      %get3A_89 = arith.constant 0 : index
      %get3A_90 = arith.constant 0 : index
      %get3A_91 = vector.load %arg4[%get3A_89, %get3A_90] : memref<256x256xf32, #tpu.memory_space<vmem>>, vector<256x256xf32>
      %get3A_92 = arith.constant 0 : index
      %get3A_93 = arith.constant 0 : index
      %get3A_94 = vector.load %arg10[%get3A_92, %get3A_93] : memref<256x128xf32, #tpu.memory_space<vmem>>, vector<256x128xf32>
      %dot_general3A_95 = arith.constant dense<0.000000e+00> : vector<256x128xf32>
      %dot_general3A_96 = tpu.matmul %get3A_91, %get3A_94, %dot_general3A_95 {dimension_numbers = #tpu.dot_dimension_numbers<[1], [0], [0], [1], [0, 0, 1, 1], [], []>, transpose_lhs_hint = false} : vector<256x256xf32>, vector<256x128xf32>, vector<256x128xf32> -> vector<256x128xf32>
      %get3A_97 = arith.constant 0 : index
      %get3A_98 = arith.constant 0 : index
      %get3A_99 = vector.load %arg11[%get3A_97, %get3A_98] : memref<1x128xf32, #tpu.memory_space<vmem>>, vector<1x128xf32>
      %add3A_100 = vector.broadcast %get3A_99 : vector<1x128xf32> to vector<256x128xf32>
      %add3A_101 = arith.addf %dot_general3A_96, %add3A_100 : vector<256x128xf32>
      %max3A_102 = arith.constant 0.000000e+00 : f32
      %max3A_103 = vector.broadcast %max3A_102 : f32 to vector<256x128xf32>
      %max3A_104 = arith.maximumf %add3A_101, %max3A_103 : vector<256x128xf32>
      %get3A_105 = arith.constant 0 : index
      %get3A_106 = arith.constant 0 : index
      %get3A_107 = vector.load %arg12[%get3A_105, %get3A_106] : memref<128x128xf32, #tpu.memory_space<vmem>>, vector<128x128xf32>
      %dot_general3A_108 = arith.constant dense<0.000000e+00> : vector<256x128xf32>
      %dot_general3A_109 = tpu.matmul %max3A_104, %get3A_107, %dot_general3A_108 {dimension_numbers = #tpu.dot_dimension_numbers<[1], [0], [0], [1], [0, 0, 1, 1], [], []>, transpose_lhs_hint = false} : vector<256x128xf32>, vector<128x128xf32>, vector<256x128xf32> -> vector<256x128xf32>
      %get3A_110 = arith.constant 0 : index
      %get3A_111 = arith.constant 0 : index
      %get3A_112 = vector.load %arg13[%get3A_110, %get3A_111] : memref<1x128xf32, #tpu.memory_space<vmem>>, vector<1x128xf32>
      %add3A_113 = vector.broadcast %get3A_112 : vector<1x128xf32> to vector<256x128xf32>
      %add3A_114 = arith.addf %dot_general3A_109, %add3A_113 : vector<256x128xf32>
      %max3A_115 = arith.constant 0.000000e+00 : f32
      %max3A_116 = vector.broadcast %max3A_115 : f32 to vector<256x128xf32>
      %max3A_117 = arith.maximumf %add3A_114, %max3A_116 : vector<256x128xf32>
      %concatenate3A_118 = tpu.concatenate %max3A_88, %max3A_117 in 1 : vector<256x128xf32>, vector<256x128xf32> -> vector<256x256xf32>
      %get3A_119 = arith.constant 0 : index
      %get3A_120 = arith.constant 0 : index
      %get3A_121 = vector.load %arg14[%get3A_119, %get3A_120] : memref<256x128xf32, #tpu.memory_space<vmem>>, vector<256x128xf32>
      %dot_general3A_122 = arith.constant dense<0.000000e+00> : vector<256x128xf32>
      %dot_general3A_123 = tpu.matmul %concatenate3A_118, %get3A_121, %dot_general3A_122 {dimension_numbers = #tpu.dot_dimension_numbers<[1], [0], [0], [1], [0, 0, 1, 1], [], []>, transpose_lhs_hint = false} : vector<256x256xf32>, vector<256x128xf32>, vector<256x128xf32> -> vector<256x128xf32>
      %get3A_124 = arith.constant 0 : index
      %get3A_125 = arith.constant 0 : index
      %get3A_126 = vector.load %arg15[%get3A_124, %get3A_125] : memref<1x128xf32, #tpu.memory_space<vmem>>, vector<1x128xf32>
      %add3A_127 = vector.broadcast %get3A_126 : vector<1x128xf32> to vector<256x128xf32>
      %add3A_128 = arith.addf %dot_general3A_123, %add3A_127 : vector<256x128xf32>
      %max3A_129 = arith.constant 0.000000e+00 : f32
      %max3A_130 = vector.broadcast %max3A_129 : f32 to vector<256x128xf32>
      %max3A_131 = arith.maximumf %add3A_128, %max3A_130 : vector<256x128xf32>
      %get3A_132 = arith.constant 0 : index
      %get3A_133 = arith.constant 0 : index
      %get3A_134 = vector.load %arg16[%get3A_132, %get3A_133] : memref<128x64xf32, #tpu.memory_space<vmem>>, vector<128x64xf32>
      %dot_general3A_135 = arith.constant dense<0.000000e+00> : vector<256x64xf32>
      %dot_general3A_136 = tpu.matmul %max3A_131, %get3A_134, %dot_general3A_135 {dimension_numbers = #tpu.dot_dimension_numbers<[1], [0], [0], [1], [0, 0, 1, 1], [], []>, transpose_lhs_hint = false} : vector<256x128xf32>, vector<128x64xf32>, vector<256x64xf32> -> vector<256x64xf32>
      %get3A_137 = arith.constant 0 : index
      %get3A_138 = arith.constant 0 : index
      %get3A_139 = vector.load %arg17[%get3A_137, %get3A_138] : memref<1x64xf32, #tpu.memory_space<vmem>>, vector<1x64xf32>
      %add3A_140 = vector.broadcast %get3A_139 : vector<1x64xf32> to vector<256x64xf32>
      %add3A_141 = arith.addf %dot_general3A_136, %add3A_140 : vector<256x64xf32>
      %max3A_142 = arith.constant 0.000000e+00 : f32
      %max3A_143 = vector.broadcast %max3A_142 : f32 to vector<256x64xf32>
      %max3A_144 = arith.maximumf %add3A_141, %max3A_143 : vector<256x64xf32>
      %get3A_145 = arith.constant 0 : index
      %get3A_146 = arith.constant 0 : index
      %get3A_147 = vector.load %arg18[%get3A_145, %get3A_146] : memref<64x1xf32, #tpu.memory_space<vmem>>, vector<64x1xf32>
      %dot_general3A_148 = arith.constant dense<0.000000e+00> : vector<256x1xf32>
      %dot_general3A_149 = tpu.matmul %max3A_144, %get3A_147, %dot_general3A_148 {dimension_numbers = #tpu.dot_dimension_numbers<[1], [0], [0], [1], [0, 0, 1, 1], [], []>, transpose_lhs_hint = false} : vector<256x64xf32>, vector<64x1xf32>, vector<256x1xf32> -> vector<256x1xf32>
      %get3A_150 = arith.constant 0 : index
      %get3A_151 = arith.constant 0 : index
      %get3A_152 = vector.load %arg19[%get3A_150, %get3A_151] : memref<1x1xf32, #tpu.memory_space<vmem>>, vector<1x1xf32>
      %add3A_153 = vector.broadcast %get3A_152 : vector<1x1xf32> to vector<256x1xf32>
      %add3A_154 = arith.addf %dot_general3A_149, %add3A_153 : vector<256x1xf32>
      %swap3A_155 = arith.constant 0 : index
      %swap3A_156 = arith.constant 0 : index
      %swap3A_157 = vector.load %arg20[%swap3A_155, %swap3A_156] : memref<256x1xf32, #tpu.memory_space<vmem>>, vector<256x1xf32>
      tpu.vector_store %arg20[%swap3A_155, %swap3A_156], %add3A_154 {strides = array<i32>} : memref<256x1xf32, #tpu.memory_space<vmem>>, vector<256x1xf32>,
    } else {
    }
    return
  }
  func.func @transform_0(%arg0: i32) -> (i32, i32, i32) {
    %c0_i32 = arith.constant 0 : i32
    %c0_i32_0 = arith.constant 0 : i32
    %c0_i32_1 = arith.constant 0 : i32
    return %c0_i32, %arg0, %c0_i32_0 : i32, i32, i32
  }
  func.func @transform_1(%arg0: i32) -> (i32, i32) {
    %c0_i32 = arith.constant 0 : i32
    %c0_i32_0 = arith.constant 0 : i32
    return %arg0, %c0_i32 : i32, i32
  }
  func.func @transform_2(%arg0: i32) -> (i32, i32, i32) {
    %c0_i32 = arith.constant 0 : i32
    %c0_i32_0 = arith.constant 0 : i32
    %c0_i32_1 = arith.constant 0 : i32
    return %arg0, %c0_i32, %c0_i32_0 : i32, i32, i32
  }
  func.func @transform_3(%arg0: i32) -> (i32, i32) {
    %c0_i32 = arith.constant 0 : i32
    %c0_i32_0 = arith.constant 0 : i32
    %c0_i32_1 = arith.constant 0 : i32
    return %c0_i32, %c0_i32_0 : i32, i32
  }
  func.func @transform_4(%arg0: i32) -> (i32, i32) {
    %c0_i32 = arith.constant 0 : i32
    %c0_i32_0 = arith.constant 0 : i32
    %c0_i32_1 = arith.constant 0 : i32
    return %c0_i32, %c0_i32_0 : i32, i32
  }
  func.func @transform_5(%arg0: i32) -> (i32, i32) {
    %c0_i32 = arith.constant 0 : i32
    %c0_i32_0 = arith.constant 0 : i32
    %c0_i32_1 = arith.constant 0 : i32
    return %c0_i32, %c0_i32_0 : i32, i32
  }
  func.func @transform_6(%arg0: i32) -> (i32, i32) {
    %c0_i32 = arith.constant 0 : i32
    %c0_i32_0 = arith.constant 0 : i32
    %c0_i32_1 = arith.constant 0 : i32
    return %c0_i32, %c0_i32_0 : i32, i32
  }
  func.func @transform_7(%arg0: i32) -> (i32, i32) {
    %c0_i32 = arith.constant 0 : i32
    %c0_i32_0 = arith.constant 0 : i32
    %c0_i32_1 = arith.constant 0 : i32
    return %c0_i32, %c0_i32_0 : i32, i32
  }
  func.func @transform_8(%arg0: i32) -> (i32, i32) {
    %c0_i32 = arith.constant 0 : i32
    %c0_i32_0 = arith.constant 0 : i32
    %c0_i32_1 = arith.constant 0 : i32
    return %c0_i32, %c0_i32_0 : i32, i32
  }
  func.func @transform_9(%arg0: i32) -> (i32, i32) {
    %c0_i32 = arith.constant 0 : i32
    %c0_i32_0 = arith.constant 0 : i32
    %c0_i32_1 = arith.constant 0 : i32
    return %c0_i32, %c0_i32_0 : i32, i32
  }
  func.func @transform_10(%arg0: i32) -> (i32, i32) {
    %c0_i32 = arith.constant 0 : i32
    %c0_i32_0 = arith.constant 0 : i32
    %c0_i32_1 = arith.constant 0 : i32
    return %c0_i32, %c0_i32_0 : i32, i32
  }
  func.func @transform_11(%arg0: i32) -> (i32, i32) {
    %c0_i32 = arith.constant 0 : i32
    %c0_i32_0 = arith.constant 0 : i32
    %c0_i32_1 = arith.constant 0 : i32
    return %c0_i32, %c0_i32_0 : i32, i32
  }
  func.func @transform_12(%arg0: i32) -> (i32, i32) {
    %c0_i32 = arith.constant 0 : i32
    %c0_i32_0 = arith.constant 0 : i32
    %c0_i32_1 = arith.constant 0 : i32
    return %c0_i32, %c0_i32_0 : i32, i32
  }
  func.func @transform_13(%arg0: i32) -> (i32, i32) {
    %c0_i32 = arith.constant 0 : i32
    %c0_i32_0 = arith.constant 0 : i32
    %c0_i32_1 = arith.constant 0 : i32
    return %c0_i32, %c0_i32_0 : i32, i32
  }
  func.func @transform_14(%arg0: i32) -> (i32, i32) {
    %c0_i32 = arith.constant 0 : i32
    %c0_i32_0 = arith.constant 0 : i32
    %c0_i32_1 = arith.constant 0 : i32
    return %c0_i32, %c0_i32_0 : i32, i32
  }
  func.func @transform_15(%arg0: i32) -> (i32, i32) {
    %c0_i32 = arith.constant 0 : i32
    %c0_i32_0 = arith.constant 0 : i32
    %c0_i32_1 = arith.constant 0 : i32
    return %c0_i32, %c0_i32_0 : i32, i32
  }
  func.func @transform_16(%arg0: i32) -> (i32, i32) {
    %c0_i32 = arith.constant 0 : i32
    %c0_i32_0 = arith.constant 0 : i32
    %c0_i32_1 = arith.constant 0 : i32
    return %c0_i32, %c0_i32_0 : i32, i32
  }
  func.func @transform_17(%arg0: i32) -> (i32, i32) {
    %c0_i32 = arith.constant 0 : i32
    %c0_i32_0 = arith.constant 0 : i32
    %c0_i32_1 = arith.constant 0 : i32
    return %c0_i32, %c0_i32_0 : i32, i32
  }
  func.func @transform_18(%arg0: i32) -> (i32, i32) {
    %c0_i32 = arith.constant 0 : i32
    %c0_i32_0 = arith.constant 0 : i32
    %c0_i32_1 = arith.constant 0 : i32
    return %c0_i32, %c0_i32_0 : i32, i32
  }
  func.func @transform_19(%arg0: i32) -> (i32, i32) {
    %c0_i32 = arith.constant 0 : i32
    %c0_i32_0 = arith.constant 0 : i32
    %c0_i32_1 = arith.constant 0 : i32
    return %c0_i32, %c0_i32_0 : i32, i32
  }
}

</mosaic_0001>

<sc_bundles>
// kernel: kernel.11.cloned.1.call-start
scs
__scs_entry_jumppad:
0x0: {  	(pc) =	sbr.rel $0x88, $3  }
0x1: {  	(tag) =	ssettag $0x0;
	lr =	simm.s32 $0x1  }
0x2: {  	[smem:$0x3F8B] =	sst lr;
	_ =	strace $0xD0000000  }
0x3: {  	_ = 	snop  }
0x4: {  	_ = 	snop  }
0x5: {  	_ = 	snop  }
0x6: {  	_ = 	snop  }
0x7: {  	_ = 	snop  }
__scs_overlays_trampoline_lowered:
0x8: {  	[smem:$0x3F9A] =	sst s0  }
0x9: {  	[smem:$0x3F9B] =	sst s1  }
0xa: {  	[smem:$0x3F9C] =	sst s2  }
0xb: {  	[smem:$0x3F9D] =	sst s3  }
0xc: {  	[smem:$0x3F9E] =	sst s4  }
0xd: {  	[smem:$0x3F9F] =	sst s5  }
0xe: {  	[smem:$0x3FA0] =	sst s6  }
0xf: {  	[smem:$0x3FA1] =	sst s7  }
0x10: {  	[smem:$0x3FA2] =	sst s8  }
0x11: {  	[smem:$0x3FA3] =	sst s9;
	s0 =	simm.s32 @!p0 $0x0  }
0x12: {  	s1 =	sld [smem:$0x3F89];
	s0 =	simm.s32 @p0 $0x1  }
0x13: {  	[smem:$0x3FA4] =	sst s0;
	s0 =	simm.s32 @!p1 $0x0  }
0x14: {  	s2 =	sld [smem:$0x3F88];
	s0 =	simm.s32 @p1 $0x1  }
0x15: {  	[smem:$0x3FA5] =	sst s0;
	s0 =	simm.s32 @!p2 $0x0  }
0x16: {  	s3 =	sld [smem:$0x3FDB];
	s0 =	simm.s32 @p2 $0x1  }
0x17: {  	s4 =	simm.s32 $0x1BF5;
	[smem:$0x3FA7] =	sst s0  }
0x18: {  	s0 =	sld [smem:$0x3F8A];
	_ =	swait.ge [sflag:s4], $0x0  }
0x19: {  	s7 =	sld [smem:$0x3F8B]  }
0x1a: {  	s8 =	sadd.s32 $0xFFFFE003, lr  }
0x1b: {  	s9 =	sadd.s32 $0xFFFFFEF7, lr;
	s5 =	simm.s32 $0xFFFFFFFF;
	p2 =	slt.u32 s8, $0xFFFFF086  }
0x1c: {  	p1 =	slt.u32 s9, $0xF7A;
	s5 =	simm.s32 @!p2 $0x0  }
0x1d: {  	s5 =	simm.s32 @p1 $0x1;
	p0 =	seq.s32 s7, s2  }
0x1e: {  	s7 =	smul.u32 @!p0 $0xF7A, s2;
	p2 =	seq.s32 @!p0 s5, $0x0  }
0x1f: {  	s9 =	smul.u32 $0xF7A, s1;
	s8 =	simm.s32 @!p0 $0x1BF5;
	p2 =	por !p2, p0  }
0x20: {  	[sflag:s8] =	ssyncset.s32 @!p0 $0xFFFFF086;
	s6 =	sadd.s32 @!p0 s3, s7;
	s7 =	simm.s32 @!p0 $0x108  }
0x21: {  	s3 =	sadd.s32 s3, s9;
	s6 =	sadd.s32 @!p0 $0x88, s6;
	s7 =	simm.s32 @p2 $0x1082  }
0x22: {  	[simem:s7], [sflag:s8] =	dma.local @!p0 [hbm:s6], $0xF7A  }
0x23: {  	s9 =	sor.u32 $0xD0000000, s2;
	s6 =	simm.s32 $0x108;
	_ =	swait.ge @!p0 [sflag:s8], $0x0  }
0x24: {  	s3 =	sadd.s32 $0x88, s3;
	s6 =	simm.s32 @!p1 $0x1082;
	[sflag:s4] =	ssyncset.s32 $0xFFFFF086  }
0x25: {  	[simem:s6], [sflag:s4] =	dma.local [hbm:s3], $0xF7A  }
0x26: {  	[smem:$0x3F8B] =	sst s1;
	(tag) =	ssettag s2;
	_ =	strace s9  }
0x27: {  	s1 =	sld [smem:$0x3F9B]  }
0x28: {  	s2 =	sld [smem:$0x3F9C]  }
0x29: {  	s4 =	sld [smem:$0x3F9E]  }
0x2a: {  	p0 =	seq.s32 s5, $0x0;
	s5 =	sld [smem:$0x3F9F]  }
0x2b: {  	s6 =	sld [smem:$0x3FA0]  }
0x2c: {  	s7 =	sld [smem:$0x3FA1]  }
0x2d: {  	s3 =	simm.s32 $0x108;
	s8 =	sld [smem:$0x3FA2]  }
0x2e: {  	s3 =	simm.s32 @!p0 $0x1082;
	s9 =	sld [smem:$0x3FA3]  }
0x2f: {  	lr =	sadd.s32 s0, s3;
	s0 =	sld [smem:$0x3F9A]  }
0x30: {  	s3 =	sld [smem:$0x3F9D]  }
0x31: {  	[smem:$0x3FA6] =	sst s10  }
0x32: {  	s10 =	sld [smem:$0x3FA4];
	_ =	sdelay $0x3  }
0x33: {  	p0 =	seq.s32 s10, $0x1;
	s10 =	sld [smem:$0x3FA6];
	_ =	sdelay $0x3  }
0x34: {  	[smem:$0x3FA6] =	sst s10  }
0x35: {  	s10 =	sld [smem:$0x3FA5];
	_ =	sdelay $0x3  }
0x36: {  	p1 =	seq.s32 s10, $0x1;
	s10 =	sld [smem:$0x3FA6];
	_ =	sdelay $0x3  }
0x37: {  	[smem:$0x3FA6] =	sst s10  }
0x38: {  	s10 =	sld [smem:$0x3FA7]  }
0x39: {  	_ = 	snop;
	(pc) =	sbr.ind lr, $3  }
0x3a: {  	_ = 	snop  }
0x3b: {  	_ = 	snop  }
0x3c: {  	p2 =	seq.s32 s10, $0x1;
	s10 =	sld [smem:$0x3FA6]  }
0x3d: {  	_ =	shalt  }
0x3e: {  	_ =	shalt  }
0x3f: {  	_ =	shalt  }
0x40: {  	_ =	shalt  }
0x41: {  	_ =	shalt  }
0x42: {  	_ =	shalt  }
0x43: {  	_ =	shalt  }
0x44: {  	_ =	shalt  }
0x45: {  	_ =	shalt  }
0x46: {  	_ =	shalt  }
0x47: {  	_ =	shalt  }
0x48: {  	_ =	shalt  }
0x49: {  	_ =	shalt  }
0x4a: {  	_ =	shalt  }
0x4b: {  	_ =	shalt  }
0x4c: {  	_ =	shalt  }
0x4d: {  	_ =	shalt  }
0x4e: {  	_ =	shalt  }
0x4f: {  	_ =	shalt  }
0x50: {  	_ =	shalt  }
0x51: {  	_ =	shalt  }
0x52: {  	_ =	shalt  }
0x53: {  	_ =	shalt  }
0x54: {  	_ =	shalt  }
0x55: {  	_ =	shalt  }
0x56: {  	_ =	shalt  }
0x57: {  	_ =	shalt  }
0x58: {  	_ =	shalt  }
0x59: {  	_ =	shalt  }
0x5a: {  	_ =	shalt  }
0x5b: {  	_ =	shalt  }
0x5c: {  	_ =	shalt  }
0x5d: {  	_ =	shalt  }
0x5e: {  	_ =	shalt  }
0x5f: {  	_ =	shalt  }
0x60: {  	_ =	shalt  }
0x61: {  	_ =	shalt  }
0x62: {  	_ =	shalt  }
0x63: {  	_ =	shalt  }
0x64: {  	_ =	shalt  }
0x65: {  	_ =	shalt  }
0x66: {  	_ =	shalt  }
0x67: {  	_ =	shalt  }
0x68: {  	_ =	shalt  }
0x69: {  	_ =	shalt  }
0x6a: {  	_ =	shalt  }
0x6b: {  	_ =	shalt  }
0x6c: {  	_ =	shalt  }
0x6d: {  	_ =	shalt  }
0x6e: {  	_ =	shalt  }
0x6f: {  	_ =	shalt  }
0x70: {  	_ =	shalt  }
0x71: {  	_ =	shalt  }
0x72: {  	_ =	shalt  }
0x73: {  	_ =	shalt  }
0x74: {  	_ =	shalt  }
0x75: {  	_ =	shalt  }
0x76: {  	_ =	shalt  }
0x77: {  	_ =	shalt  }
0x78: {  	_ =	shalt  }
0x79: {  	_ =	shalt  }
0x7a: {  	_ =	shalt  }
0x7b: {  	_ =	shalt  }
0x7c: {  	_ =	shalt  }
0x7d: {  	_ =	shalt  }
0x7e: {  	_ =	shalt  }
0x7f: {  	_ =	shalt  }
0x80: {  	_ =	shalt  }
0x81: {  	_ =	shalt  }
0x82: {  	_ =	shalt  }
0x83: {  	_ =	shalt  }
0x84: {  	_ =	shalt  }
0x85: {  	_ =	shalt  }
0x86: {  	_ =	shalt  }
0x87: {  	_ =	shalt  }
.Lfunc_end0:
.L_simem_size_0:
called_computation.1_lowered:
.L_overlay_start_0:
0x88: {  	s2 =	sld [smem:$0x3FD9]  }
0x89: {  	s3 =	sld [smem:$0x3FFE];
	_ =	sdelay $0x1  }
0x8a: {  	s1 =	srdreg.scid  }
0x8b: {  	s0 =	sand.u32 $0x1, s1  }
0x8c: {  	s16 =	sshll.u32 s0, $0xA;
	s2 =	sadd.s32 s3, s2  }
0x8d: {  	s2 =	sadd.s32 s2, s16  }
0x8e: {  	[smem:$0x3FB2] =	sst s2  }
0x8f: {  	_ = 	snop  }
0x90: {  	(tm) =	ssettm $0x1  }
0x91: {  	s17 =	sld [smem:$0x3FFB];
	_ =	sdelay $0x3  }
0x92: {  	_ =	strace s17  }
0x93: {  	s2 =	sld [smem:$0x3FFC];
	_ =	sdelay $0x3  }
0x94: {  	_ =	strace s2  }
0x95: {  	s2 =	sld [smem:$0x3FFD];
	_ =	sdelay $0x3  }
0x96: {  	_ =	strace s2  }
0x97: {  	_ =	strace $0x8FFFFFFF  }
0x98: {  	s18 =	sld [smem:$0x3FDB];
	_ =	sdelay $0x1  }
0x99: {  	s19 =	simm.s32 $_scs_section_size  }
0x9a: {  	s4 =	simm.s32 $_size__tile_overlayer_lowered;
	s5 =	simm.s32 $_tile_overlayer_lowered  }
0x9b: {  	s22 =	simm.s32 $0x1BFF;
	s21 =	sshll.u32 s5, $0x1;
	s2 =	sadd.s32 s19, s18  }
0x9c: {  	s6 =	simm.s32 $0x0;
	s20 =	sshll.u32 s4, $0x1;
	s4 =	sadd.s32 s21, s2  }
0x9d: {  	[timem:s6], [sflag:s22] =	dma.local [hbm:s4], s20  }
0x9e: {  	_ =	swait.ge [sflag:s22], s20  }
0x9f: {  	s3 =	ssub.s32 $0x0, s20;
	[sflag:s22] =	ssyncset.done $0x0  }
0xa0: {  	[sflag:s22] =	ssyncadd.s32 s3;
	_ =	sdelay $0x1  }
0xa1: {  	s23 =	simm.s32 $0x1B8B  }
0xa2: {  	_ =	swait.ge [sflag:s23], $0x1  }
0xa3: {  	[sflag:s23] =	ssyncset.done $0x0  }
0xa4: {  	s25 =	simm.s32 $0x1B8E;
	s24 =	sld [smem:$0x3FFE];
	[sflag:s23] =	ssyncadd.s32 $0xFFFFFFFF  }
0xa5: {  	s26 =	simm.s32 $execute0_lowered;
	[smem:$0x3FD2] =	sst s25  }
0xa6: {  	s4 =	sshll.u32 s26, $0x1;
	_ =	strace $0x80000049;
	[dreg:$0x1] =	wrdreg $0xFFFFFFFF  }
0xa7: {  	s28 =	simm.s32 $_size_execute0_lowered;
	s2 =	sadd.s32 s2, s4;
	[dreg:$0x0] =	wrdreg $0x0  }
0xa8: {  	s4 =	sshll.u32 s28, $0x1;
	[dreg:$0x2] =	wrdreg s2  }
0xa9: {  	[dreg:$0x3] =	wrdreg s4  }
0xaa: {  	[dreg:$0x4] =	wrdreg $0xC0  }
0xab: {  	_ =	task [dreg:s6], $0x5FFFF  }
0xac: {  	[dreg:$0x1] =	wrdreg $0xFFFFFFFF  }
0xad: {  	[dreg:$0x0] =	wrdreg $0x60  }
0xae: {  	[dreg:$0x2] =	wrdreg s24  }
0xaf: {  	[dreg:$0x3] =	wrdreg $0xC0000  }
0xb0: {  	[dreg:$0x4] =	wrdreg $0x9  }
0xb1: {  	_ =	task.clear_ibuf [dreg:s6], $0x5FFFF;
	_ =	strace $0x90000049  }
0xb2: {  	s29 =	simm.s32 $0x9;
	_ =	strace $0x8000004B  }
0xb3: {  	_ =	swait.ge [sflag:s29], $0x1  }
0xb4: {  	[sflag:s29] =	ssyncadd.s32 $0xFFFFFFFF  }
0xb5: {  	_ =	strace $0x9000004B  }
0xb6: {  	_ =	sfence  }
0xb7: {  	s30 =	sld [smem:$0x0];
	_ =	sdelay $0x2  }
0xb8: {  	s31 =	sshll.u32 s1, $0xD;
	s1 =	sshrl.u32 s1, $0x2  }
0xb9: {  	s3 =	sand.u32 $0x4000, s31;
	s1 =	sadd.s32 s1, s30  }
0xba: {  	s0 =	sor.u32 s3, s0;
	s1 =	sshll.u32 s1, $0x11  }
0xbb: {  	s0 =	sor.u32 s1, s0  }
0xbc: {  	s0 =	sadd.s32 $0x8F2B, s0  }
0xbd: {  	[sflag:s0] =	ssyncadd.remote.s32 $0x1  }
0xbe: {  	_ =	sfence.sel $0xFFFF  }
0xbf: {  	[dreg:$0x0] =	wrdreg $0xFFFFFFFF;
	(pc) =	sbr.abs _section_cstart, $3  }
0xc0: {  	[dreg:$0x1] =	wrdreg $0xFFFFFFFF  }
0xc1: {  	_ =	task.clear_ibuf [dreg:s6], $0x2FFFF;
	_ =	strace $0x9FFFFFFF  }
0xc2: {  	(tm) =	ssettm $0x7FFFFFFF  }
0xc3: {  	_ =	shalt  }
tec
execute0_lowered:
.L_overlay_start_1:
0x0: {  	(tag) =	ssettag $0x1  }
0x1: {  	s0 =	srdreg.scid  }
0x2: {  	s5 =	rddreg [dreg:$0x0];
	s6 =	sand.u32 $0x1, s0  }
0x3: {  	s0 =	stileid.u32;
	s4 =	smul.u32 $0x2C000, s6  }
0x4: {  	s2 =	rddreg [dreg:$0x1];
	s7 =	smul.u32 $0x2C00, s0  }
0x5: {  	s1 =	rddreg [dreg:$0x2];
	s3 =	simm.s32 $0x0;
	s8 =	smul.u32 $0x2800, s0  }
0x6: {  	s15 =	simm.s32 $0x80;
	s16 =	simm.s32 $0x4000;
	s26 =	smul.u32 $0x13C000, s6  }
0x7: {  	s17 =	simm.s32 $0x8000;
	s18 =	simm.s32 $0x1;
	s9 =	smul.u32 $0x13C00, s0  }
0x8: {  	s19 =	simm.s32 $0x2;
	[smem:$0x7FF] =	sst s3;
	s28 =	smul.u32 $0x4F000, s0  }
0x9: {  	s20 =	simm.s32 $0x0;
	_ =	strace $0x8000004A;
	s12 =	smul.u32 $0x28000, s6  }
0xa: {  	s11 =	ssub.s32 $0x2, s6;
	s30 =	smul.u32 $0x2780, s0;
	s31 =	sshll.u32 s0, $0x6  }
0xb: {  	s29 =	sshrl.u32 s11, $0x1;
	s4 =	sadd.s32 s7, s4;
	s8 =	sshrl.u32 s8, $0x3  }
0xc: {  	s7 =	sadd.s32 s9, s26;
	s11 =	ssub.s32 s11, s29;
	s9 =	sshrl.u32 s28, $0x2  }
0xd: {  	s4 =	sshrl.u32 s4, $0x3;
	s8 =	sadd.s32 s8, s5;
	s7 =	sshrl.u32 s7, $0x3  }
0xe: {  	s14 =	sadd.s32 s9, s2;
	s10 =	sadd.s32 s4, s5;
	s4 =	sadd.s32 $0x19200, s5  }
0xf: {  	s13 =	sadd.s32 s7, s5;
	s6 =	sadd.s32 $0x9200, s8;
	s7 =	sadd.s32 s30, s12  }
0x10: {  	s8 =	sadd.s32 $0x9480, s8;
	s12 =	simm.s32 $0x2C00;
	s14 =	sshrl.u32 s14, $0x3  }
0x11: {  	s5 =	sadd.s32 $0xE200, s10;
	s7 =	sadd.s32 s4, s7;
	s9 =	sadd.s32 $0x69200, s13  }
0x12: {  	s10 =	smax.u32 s11, $0x1;
	s11 =	simm.s32 $0x3;
	s13 =	sor.u32 $0x1C03, s31  }
.LBB2_1:
0x13: {  	[tilespmem:s3], [sflag:$0x3] =	stream.linear.gather [hbm4b:s5+s3], $0x2900, $0x38;
	[tilespmem:$0x1FC00] =	vst v63  }
0x14: {  	_ =	swait.ge [sflag:s11], $0x2900  }
0x15: {  	[sflag:s11] =	ssyncset.done $0x0  }
0x16: {  	[sflag:s11] =	ssyncadd.s32 $0xFFFFD700  }
0x17: {  	[tilespmem:s12], [sflag:$0x3] =	stream.linear.gather [hbm4b:s6+s3], $0x1400, $0x38;
	[tilespmem:$0x1FC00] =	vst v63  }
0x18: {  	_ =	swait.ge [sflag:s11], $0x1400  }
0x19: {  	[sflag:s11] =	ssyncset.done $0x0  }
0x1a: {  	[sflag:s11] =	ssyncadd.s32 $0xFFFFEC00  }
0x1b: {  	[spmem:s14], [sflag:s13] =	dma.local [hbm:s7], $0x2780  }
0x1c: {  	_ =	swait.ge [sflag:s11], $0x2780  }
0x1d: {  	[sflag:s11] =	ssyncset.done $0x0  }
0x1e: {  	[sflag:s11] =	ssyncadd.s32 $0xFFFFD880  }
0x1f: {  	[bflag:$0x0] =	sbarrier.arrive $0xFFFF  }
0x20: {  	[tilespmem:s16], [sflag:$0x1] =	stream.indirect.gather [hbm4b:s4+s15], $0x80, s3, s15, $0xb8;
	[tilespmem:$0x1FC00] =	vst v63  }
0x21: {  	_ = 	snop  }
0x22: {  	[tilespmem:s17], [sflag:$0x2] =	stream.indirect.gather [hbm4b:s4+s15], $0x80, s15, s15, $0xb8;
	[tilespmem:$0x1FC00] =	vst v63  }
0x23: {  	_ =	swait.ge [sflag:s18], $0x4000  }
0x24: {  	[sflag:s18] =	ssyncset.done $0x0  }
0x25: {  	s21 =	simm.s32 $0x2C00;
	[sflag:s18] =	ssyncadd.s32 $0xFFFFC000  }
0x26: {  	[spmem:s2] =	stream.indirect.scatter.add.f32 [tilespmem:s16], [sflag:$0x3], $0x80, s21, s15, $0xb8;
	[tilespmem:$0x1FC00] =	vst v63  }
0x27: {  	_ =	swait.ge [sflag:s11], $0x4000  }
0x28: {  	[sflag:s11] =	ssyncset.done $0x0  }
0x29: {  	s30 =	simm.s32 $0x100;
	[sflag:s11] =	ssyncadd.s32 $0xFFFFC000  }
0x2a: {  	[tilespmem:s16], [sflag:$0x1] =	stream.indirect.gather [hbm4b:s4+s15], $0x80, s30, s15, $0xb8;
	[tilespmem:$0x1FC00] =	vst v63  }
0x2b: {  	_ =	swait.ge [sflag:s19], $0x4000  }
0x2c: {  	[sflag:s19] =	ssyncset.done $0x0  }
0x2d: {  	s31 =	simm.s32 $0x2C80;
	[sflag:s19] =	ssyncadd.s32 $0xFFFFC000  }
0x2e: {  	[spmem:s2] =	stream.indirect.scatter.add.f32 [tilespmem:s17], [sflag:$0x3], $0x80, s31, s15, $0xb8;
	[tilespmem:$0x1FC00] =	vst v63  }
0x2f: {  	_ =	swait.ge [sflag:s11], $0x4000  }
0x30: {  	[sflag:s11] =	ssyncset.done $0x0  }
0x31: {  	s22 =	simm.s32 $0x180;
	s21 =	simm.s32 $0x400;
	[sflag:s11] =	ssyncadd.s32 $0xFFFFC000  }
.LBB2_2:
0x32: {  	[tilespmem:s17], [sflag:$0x2] =	stream.indirect.gather [hbm4b:s4+s15], $0x80, s22, s15, $0xb8;
	[tilespmem:$0x1FC00] =	vst v63  }
0x33: {  	s22 =	smov.u32 s21  }
0x34: {  	p0 =	sne.s32 s21, $0x4C00;
	s21 =	sadd.s32 $0x400, s21;
	_ =	swait.ge [sflag:s18], $0x4000  }
0x35: {  	s22 =	sshra.s32 s22, $0x2;
	[sflag:s18] =	ssyncset.done $0x0  }
0x36: {  	s23 =	sadd.s32 $0x2C00, s22;
	[sflag:s18] =	ssyncadd.s32 $0xFFFFC000  }
0x37: {  	[spmem:s2] =	stream.indirect.scatter.add.f32 [tilespmem:s16], [sflag:$0x3], $0x80, s23, s15, $0xb8;
	[tilespmem:$0x1FC00] =	vst v63  }
0x38: {  	_ =	swait.ge [sflag:s11], $0x4000  }
0x39: {  	[sflag:s11] =	ssyncset.done $0x0  }
0x3a: {  	s23 =	sadd.s32 $0x100, s22;
	[sflag:s11] =	ssyncadd.s32 $0xFFFFC000  }
0x3b: {  	[tilespmem:s16], [sflag:$0x1] =	stream.indirect.gather [hbm4b:s4+s15], $0x80, s23, s15, $0xb8;
	[tilespmem:$0x1FC00] =	vst v63  }
0x3c: {  	_ =	swait.ge [sflag:s19], $0x4000  }
0x3d: {  	[sflag:s19] =	ssyncset.done $0x0  }
.Ltmp0:
0x3e: {  	s23 =	sadd.s32 $0x2C80, s22;
	[sflag:s19] =	ssyncadd.s32 $0xFFFFC000;
	(pc) =	sbr.rel @p0 .LBB2_2-.Ltmp0, $4  }
0x3f: {  	[spmem:s2] =	stream.indirect.scatter.add.f32 [tilespmem:s17], [sflag:$0x3], $0x80, s23, s15, $0xb8;
	[tilespmem:$0x1FC00] =	vst v63  }
0x40: {  	_ =	swait.ge [sflag:s11], $0x4000  }
0x41: {  	[sflag:s11] =	ssyncset.done $0x0  }
0x42: {  	s22 =	sadd.s32 $0x180, s22;
	[sflag:s11] =	ssyncadd.s32 $0xFFFFC000  }
0x43: {  	[tilespmem:s17], [sflag:$0x2] =	stream.indirect.gather [hbm4b:s4+s15], $0x80, s22, s15, $0xb8;
	[tilespmem:$0x1FC00] =	vst v63  }
0x44: {  	s21 =	simm.s32 $0x0  }
0x45: {  	[tilespmem:s12], [sflag:$0x3] =	stream.linear.gather [hbm4b:s8+s21], $0x1400, $0x38;
	[tilespmem:$0x1FC00] =	vst v63  }
0x46: {  	_ =	swait.ge [sflag:s11], $0x1400  }
0x47: {  	[sflag:s11] =	ssyncset.done $0x0  }
0x48: {  	[sflag:s11] =	ssyncadd.s32 $0xFFFFEC00  }
0x49: {  	_ =	swait.ge [sflag:s18], $0x4000  }
0x4a: {  	[sflag:s18] =	ssyncset.done $0x0  }
0x4b: {  	s29 =	simm.s32 $0x2C00;
	[sflag:s18] =	ssyncadd.s32 $0xFFFFC000  }
0x4c: {  	[spmem:s2] =	stream.indirect.scatter.add.f32 [tilespmem:s16], [sflag:$0x3], $0x80, s29, s15, $0xb8;
	[tilespmem:$0x1FC00] =	vst v63  }
0x4d: {  	_ =	swait.ge [sflag:s11], $0x4000  }
0x4e: {  	[sflag:s11] =	ssyncset.done $0x0  }
0x4f: {  	s30 =	simm.s32 $0x1500;
	[sflag:s11] =	ssyncadd.s32 $0xFFFFC000  }
0x50: {  	[tilespmem:s16], [sflag:$0x1] =	stream.indirect.gather [hbm4b:s4+s15], $0x80, s30, s15, $0xb8;
	[tilespmem:$0x1FC00] =	vst v63  }
0x51: {  	_ =	swait.ge [sflag:s19], $0x4000  }
0x52: {  	[sflag:s19] =	ssyncset.done $0x0  }
0x53: {  	s31 =	simm.s32 $0x2C80;
	[sflag:s19] =	ssyncadd.s32 $0xFFFFC000  }
0x54: {  	[spmem:s2] =	stream.indirect.scatter.add.f32 [tilespmem:s17], [sflag:$0x3], $0x80, s31, s15, $0xb8;
	[tilespmem:$0x1FC00] =	vst v63  }
0x55: {  	_ =	swait.ge [sflag:s11], $0x4000  }
0x56: {  	[sflag:s11] =	ssyncset.done $0x0  }
0x57: {  	s22 =	simm.s32 $0x1580;
	s21 =	simm.s32 $0x400;
	[sflag:s11] =	ssyncadd.s32 $0xFFFFC000  }
.LBB2_4:
0x58: {  	[tilespmem:s17], [sflag:$0x2] =	stream.indirect.gather [hbm4b:s4+s15], $0x80, s22, s15, $0xb8;
	[tilespmem:$0x1FC00] =	vst v63  }
0x59: {  	s22 =	smov.u32 s21  }
0x5a: {  	p0 =	sne.s32 s21, $0x4C00;
	s21 =	sadd.s32 $0x400, s21;
	_ =	swait.ge [sflag:s18], $0x4000  }
0x5b: {  	s22 =	sshra.s32 s22, $0x2;
	[sflag:s18] =	ssyncset.done $0x0  }
0x5c: {  	s23 =	sadd.s32 $0x2C00, s22;
	[sflag:s18] =	ssyncadd.s32 $0xFFFFC000  }
0x5d: {  	[spmem:s2] =	stream.indirect.scatter.add.f32 [tilespmem:s16], [sflag:$0x3], $0x80, s23, s15, $0xb8;
	[tilespmem:$0x1FC00] =	vst v63  }
0x5e: {  	_ =	swait.ge [sflag:s11], $0x4000  }
0x5f: {  	[sflag:s11] =	ssyncset.done $0x0  }
0x60: {  	s23 =	sadd.s32 $0x1500, s22;
	[sflag:s11] =	ssyncadd.s32 $0xFFFFC000  }
0x61: {  	[tilespmem:s16], [sflag:$0x1] =	stream.indirect.gather [hbm4b:s4+s15], $0x80, s23, s15, $0xb8;
	[tilespmem:$0x1FC00] =	vst v63  }
0x62: {  	_ =	swait.ge [sflag:s19], $0x4000  }
0x63: {  	[sflag:s19] =	ssyncset.done $0x0  }
.Ltmp1:
0x64: {  	s23 =	sadd.s32 $0x2C80, s22;
	[sflag:s19] =	ssyncadd.s32 $0xFFFFC000;
	(pc) =	sbr.rel @p0 .LBB2_4-.Ltmp1, $4  }
0x65: {  	[spmem:s2] =	stream.indirect.scatter.add.f32 [tilespmem:s17], [sflag:$0x3], $0x80, s23, s15, $0xb8;
	[tilespmem:$0x1FC00] =	vst v63  }
0x66: {  	_ =	swait.ge [sflag:s11], $0x4000  }
0x67: {  	[sflag:s11] =	ssyncset.done $0x0  }
0x68: {  	s22 =	sadd.s32 $0x1580, s22;
	[sflag:s11] =	ssyncadd.s32 $0xFFFFC000  }
0x69: {  	[tilespmem:s17], [sflag:$0x2] =	stream.indirect.gather [hbm4b:s4+s15], $0x80, s22, s15, $0xb8;
	[tilespmem:$0x1FC00] =	vst v63  }
0x6a: {  	_ =	swait.ge [sflag:s18], $0x4000  }
0x6b: {  	[sflag:s18] =	ssyncset.done $0x0  }
0x6c: {  	[sflag:s18] =	ssyncadd.s32 $0xFFFFC000  }
0x6d: {  	_ =	swait.ge [sflag:s19], $0x4000  }
0x6e: {  	s20 =	sadd.s32 $0x1, s20;
	[sflag:s19] =	ssyncset.done $0x0  }
0x6f: {  	p0 =	sne.s32 s20, s10;
	[sflag:s19] =	ssyncadd.s32 $0xFFFFC000  }
.Ltmp2:
0x70: {  	[bflag:$0x0] =	sbarrier.arrive $0xFFFF;
	(pc) =	sbr.rel @p0 .LBB2_1-.Ltmp2, $4  }
0x71: {  	[hbm:s9], [sflag:s13] =	dma.local [spmem:s14], $0x2780  }
0x72: {  	_ =	swait.ge [sflag:s11], $0x2780  }
0x73: {  	[sflag:s11] =	ssyncset.done $0x0  }
0x74: {  	[sflag:s11] =	ssyncadd.s32 $0xFFFFD880  }
0x75: {  	_ =	sfence.sel $0x180000  }
0x76: {  	[bflag:$0x0] =	sbarrier.arrive $0xFFFF  }
0x77: {  	p0 =	sne.s32 s0, $0x0;
	_ =	strace $0x9000004A  }
0x78: {  	s0 =	sadd.s32 @!p0 $0x100000, s1;
	[bflag:$0x2] =	sbarrier.arrive $0xFFFF  }
0x79: {  	[sflag:s0] =	ssyncadd.tile.s32 @!p0 $0x1;
	_ =	shalt  }
.Lfunc_end2:
_tile_overlayer_lowered:
.L_overlay_start_2:
0x7a: {  	(tag) =	ssettag $0x2  }
0x7b: {  	s0 =	rddreg [dreg:$0x0];
	s2 =	stileid.u32  }
0x7c: {  	s1 =	rddreg [dreg:$0x1];
	p0 =	sne.s32 s2, $0x0  }
0x7d: {  	s3 =	rddreg [dreg:$0x2];
	[bflag:$0x3] =	sbarrier.arrive $0xFFFF;
	s2 =	simm.s32 @!p0 $0x1C03  }
0x7e: {  	[timem:s3], [sflag:s2] =	dma.local @!p0 [hbm:s0], s1  }
0x7f: {  	s0 =	simm.s32 @!p0 $0x3  }
0x80: {  	_ =	swait.ge @!p0 [sflag:s0], s1  }
0x81: {  	s1 =	ssub.s32 @!p0 $0x0, s1;
	[sflag:s0] =	ssyncset.done @!p0 $0x0  }
0x82: {  	[sflag:s0] =	ssyncadd.s32 @!p0 s1  }
0x83: {  	[bflag:$0x3] =	sbarrier.arrive $0xFFFF  }
0x84: {  	_ =	shalt  }

// kernel: kernel.14.cloned.1.call-start
scs
__scs_entry_jumppad:
0x0: {  	(pc) =	sbr.rel $0x88, $3  }
0x1: {  	(tag) =	ssettag $0x0;
	lr =	simm.s32 $0x1  }
0x2: {  	[smem:$0x3F8B] =	sst lr;
	_ =	strace $0xD0000000  }
0x3: {  	_ = 	snop  }
0x4: {  	_ = 	snop  }
0x5: {  	_ = 	snop  }
0x6: {  	_ = 	snop  }
0x7: {  	_ = 	snop  }
__scs_overlays_trampoline_lowered:
0x8: {  	[smem:$0x3F9A] =	sst s0  }
0x9: {  	[smem:$0x3F9B] =	sst s1  }
0xa: {  	[smem:$0x3F9C] =	sst s2  }
0xb: {  	[smem:$0x3F9D] =	sst s3  }
0xc: {  	[smem:$0x3F9E] =	sst s4  }
0xd: {  	[smem:$0x3F9F] =	sst s5  }
0xe: {  	[smem:$0x3FA0] =	sst s6  }
0xf: {  	[smem:$0x3FA1] =	sst s7  }
0x10: {  	[smem:$0x3FA2] =	sst s8  }
0x11: {  	[smem:$0x3FA3] =	sst s9;
	s0 =	simm.s32 @!p0 $0x0  }
0x12: {  	s1 =	sld [smem:$0x3F89];
	s0 =	simm.s32 @p0 $0x1  }
0x13: {  	[smem:$0x3FA4] =	sst s0;
	s0 =	simm.s32 @!p1 $0x0  }
0x14: {  	s2 =	sld [smem:$0x3F88];
	s0 =	simm.s32 @p1 $0x1  }
0x15: {  	[smem:$0x3FA5] =	sst s0;
	s0 =	simm.s32 @!p2 $0x0  }
0x16: {  	s3 =	sld [smem:$0x3FDB];
	s0 =	simm.s32 @p2 $0x1  }
0x17: {  	s4 =	simm.s32 $0x1BF5;
	[smem:$0x3FA7] =	sst s0  }
0x18: {  	s0 =	sld [smem:$0x3F8A];
	_ =	swait.ge [sflag:s4], $0x0  }
0x19: {  	s7 =	sld [smem:$0x3F8B]  }
0x1a: {  	s8 =	sadd.s32 $0xFFFFE003, lr  }
0x1b: {  	s9 =	sadd.s32 $0xFFFFFEF7, lr;
	s5 =	simm.s32 $0xFFFFFFFF;
	p2 =	slt.u32 s8, $0xFFFFF086  }
0x1c: {  	p1 =	slt.u32 s9, $0xF7A;
	s5 =	simm.s32 @!p2 $0x0  }
0x1d: {  	s5 =	simm.s32 @p1 $0x1;
	p0 =	seq.s32 s7, s2  }
0x1e: {  	s7 =	smul.u32 @!p0 $0xF7A, s2;
	p2 =	seq.s32 @!p0 s5, $0x0  }
0x1f: {  	s9 =	smul.u32 $0xF7A, s1;
	s8 =	simm.s32 @!p0 $0x1BF5;
	p2 =	por !p2, p0  }
0x20: {  	[sflag:s8] =	ssyncset.s32 @!p0 $0xFFFFF086;
	s6 =	sadd.s32 @!p0 s3, s7;
	s7 =	simm.s32 @!p0 $0x108  }
0x21: {  	s3 =	sadd.s32 s3, s9;
	s6 =	sadd.s32 @!p0 $0x88, s6;
	s7 =	simm.s32 @p2 $0x1082  }
0x22: {  	[simem:s7], [sflag:s8] =	dma.local @!p0 [hbm:s6], $0xF7A  }
0x23: {  	s9 =	sor.u32 $0xD0000000, s2;
	s6 =	simm.s32 $0x108;
	_ =	swait.ge @!p0 [sflag:s8], $0x0  }
0x24: {  	s3 =	sadd.s32 $0x88, s3;
	s6 =	simm.s32 @!p1 $0x1082;
	[sflag:s4] =	ssyncset.s32 $0xFFFFF086  }
0x25: {  	[simem:s6], [sflag:s4] =	dma.local [hbm:s3], $0xF7A  }
0x26: {  	[smem:$0x3F8B] =	sst s1;
	(tag) =	ssettag s2;
	_ =	strace s9  }
0x27: {  	s1 =	sld [smem:$0x3F9B]  }
0x28: {  	s2 =	sld [smem:$0x3F9C]  }
0x29: {  	s4 =	sld [smem:$0x3F9E]  }
0x2a: {  	p0 =	seq.s32 s5, $0x0;
	s5 =	sld [smem:$0x3F9F]  }
0x2b: {  	s6 =	sld [smem:$0x3FA0]  }
0x2c: {  	s7 =	sld [smem:$0x3FA1]  }
0x2d: {  	s3 =	simm.s32 $0x108;
	s8 =	sld [smem:$0x3FA2]  }
0x2e: {  	s3 =	simm.s32 @!p0 $0x1082;
	s9 =	sld [smem:$0x3FA3]  }
0x2f: {  	lr =	sadd.s32 s0, s3;
	s0 =	sld [smem:$0x3F9A]  }
0x30: {  	s3 =	sld [smem:$0x3F9D]  }
0x31: {  	[smem:$0x3FA6] =	sst s10  }
0x32: {  	s10 =	sld [smem:$0x3FA4];
	_ =	sdelay $0x3  }
0x33: {  	p0 =	seq.s32 s10, $0x1;
	s10 =	sld [smem:$0x3FA6];
	_ =	sdelay $0x3  }
0x34: {  	[smem:$0x3FA6] =	sst s10  }
0x35: {  	s10 =	sld [smem:$0x3FA5];
	_ =	sdelay $0x3  }
0x36: {  	p1 =	seq.s32 s10, $0x1;
	s10 =	sld [smem:$0x3FA6];
	_ =	sdelay $0x3  }
0x37: {  	[smem:$0x3FA6] =	sst s10  }
0x38: {  	s10 =	sld [smem:$0x3FA7]  }
0x39: {  	_ = 	snop;
	(pc) =	sbr.ind lr, $3  }
0x3a: {  	_ = 	snop  }
0x3b: {  	_ = 	snop  }
0x3c: {  	p2 =	seq.s32 s10, $0x1;
	s10 =	sld [smem:$0x3FA6]  }
0x3d: {  	_ =	shalt  }
0x3e: {  	_ =	shalt  }
0x3f: {  	_ =	shalt  }
0x40: {  	_ =	shalt  }
0x41: {  	_ =	shalt  }
0x42: {  	_ =	shalt  }
0x43: {  	_ =	shalt  }
0x44: {  	_ =	shalt  }
0x45: {  	_ =	shalt  }
0x46: {  	_ =	shalt  }
0x47: {  	_ =	shalt  }
0x48: {  	_ =	shalt  }
0x49: {  	_ =	shalt  }
0x4a: {  	_ =	shalt  }
0x4b: {  	_ =	shalt  }
0x4c: {  	_ =	shalt  }
0x4d: {  	_ =	shalt  }
0x4e: {  	_ =	shalt  }
0x4f: {  	_ =	shalt  }
0x50: {  	_ =	shalt  }
0x51: {  	_ =	shalt  }
0x52: {  	_ =	shalt  }
0x53: {  	_ =	shalt  }
0x54: {  	_ =	shalt  }
0x55: {  	_ =	shalt  }
0x56: {  	_ =	shalt  }
0x57: {  	_ =	shalt  }
0x58: {  	_ =	shalt  }
0x59: {  	_ =	shalt  }
0x5a: {  	_ =	shalt  }
0x5b: {  	_ =	shalt  }
0x5c: {  	_ =	shalt  }
0x5d: {  	_ =	shalt  }
0x5e: {  	_ =	shalt  }
0x5f: {  	_ =	shalt  }
0x60: {  	_ =	shalt  }
0x61: {  	_ =	shalt  }
0x62: {  	_ =	shalt  }
0x63: {  	_ =	shalt  }
0x64: {  	_ =	shalt  }
0x65: {  	_ =	shalt  }
0x66: {  	_ =	shalt  }
0x67: {  	_ =	shalt  }
0x68: {  	_ =	shalt  }
0x69: {  	_ =	shalt  }
0x6a: {  	_ =	shalt  }
0x6b: {  	_ =	shalt  }
0x6c: {  	_ =	shalt  }
0x6d: {  	_ =	shalt  }
0x6e: {  	_ =	shalt  }
0x6f: {  	_ =	shalt  }
0x70: {  	_ =	shalt  }
0x71: {  	_ =	shalt  }
0x72: {  	_ =	shalt  }
0x73: {  	_ =	shalt  }
0x74: {  	_ =	shalt  }
0x75: {  	_ =	shalt  }
0x76: {  	_ =	shalt  }
0x77: {  	_ =	shalt  }
0x78: {  	_ =	shalt  }
0x79: {  	_ =	shalt  }
0x7a: {  	_ =	shalt  }
0x7b: {  	_ =	shalt  }
0x7c: {  	_ =	shalt  }
0x7d: {  	_ =	shalt  }
0x7e: {  	_ =	shalt  }
0x7f: {  	_ =	shalt  }
0x80: {  	_ =	shalt  }
0x81: {  	_ =	shalt  }
0x82: {  	_ =	shalt  }
0x83: {  	_ =	shalt  }
0x84: {  	_ =	shalt  }
0x85: {  	_ =	shalt  }
0x86: {  	_ =	shalt  }
0x87: {  	_ =	shalt  }
.Lfunc_end0:
.L_simem_size_0:
called_computation.2_lowered:
.L_overlay_start_0:
0x88: {  	s2 =	sld [smem:$0x3FD9]  }
0x89: {  	s3 =	sld [smem:$0x3FFE];
	_ =	sdelay $0x1  }
0x8a: {  	s1 =	srdreg.scid  }
0x8b: {  	s0 =	sand.u32 $0x1, s1  }
0x8c: {  	s16 =	sshll.u32 s0, $0xA;
	s2 =	sadd.s32 s3, s2  }
0x8d: {  	s2 =	sadd.s32 s2, s16  }
0x8e: {  	[smem:$0x3FB2] =	sst s2  }
0x8f: {  	_ = 	snop  }
0x90: {  	(tm) =	ssettm $0x1  }
0x91: {  	s17 =	sld [smem:$0x3FFB];
	_ =	sdelay $0x3  }
0x92: {  	_ =	strace s17  }
0x93: {  	s2 =	sld [smem:$0x3FFC];
	_ =	sdelay $0x3  }
0x94: {  	_ =	strace s2  }
0x95: {  	s2 =	sld [smem:$0x3FFD];
	_ =	sdelay $0x3  }
0x96: {  	_ =	strace s2  }
0x97: {  	_ =	strace $0x8FFFFFFF  }
0x98: {  	s18 =	sld [smem:$0x3FDB];
	_ =	sdelay $0x1  }
0x99: {  	s19 =	simm.s32 $_scs_section_size  }
0x9a: {  	s4 =	simm.s32 $_size__tile_overlayer_lowered;
	s5 =	simm.s32 $_tile_overlayer_lowered  }
0x9b: {  	s22 =	simm.s32 $0x1BFF;
	s21 =	sshll.u32 s5, $0x1;
	s2 =	sadd.s32 s19, s18  }
0x9c: {  	s6 =	simm.s32 $0x0;
	s20 =	sshll.u32 s4, $0x1;
	s4 =	sadd.s32 s21, s2  }
0x9d: {  	[timem:s6], [sflag:s22] =	dma.local [hbm:s4], s20  }
0x9e: {  	_ =	swait.ge [sflag:s22], s20  }
0x9f: {  	s3 =	ssub.s32 $0x0, s20;
	[sflag:s22] =	ssyncset.done $0x0  }
0xa0: {  	[sflag:s22] =	ssyncadd.s32 s3;
	_ =	sdelay $0x1  }
0xa1: {  	s23 =	simm.s32 $0x1B8B  }
0xa2: {  	_ =	swait.ge [sflag:s23], $0x1  }
0xa3: {  	[sflag:s23] =	ssyncset.done $0x0  }
0xa4: {  	s25 =	simm.s32 $0x1B8E;
	s24 =	sld [smem:$0x3FFE];
	[sflag:s23] =	ssyncadd.s32 $0xFFFFFFFF  }
0xa5: {  	s26 =	simm.s32 $execute0_lowered;
	[smem:$0x3FD2] =	sst s25  }
0xa6: {  	s4 =	sshll.u32 s26, $0x1;
	_ =	strace $0x8000004C;
	[dreg:$0x1] =	wrdreg $0xFFFFFFFF  }
0xa7: {  	s28 =	simm.s32 $_size_execute0_lowered;
	s2 =	sadd.s32 s2, s4;
	[dreg:$0x0] =	wrdreg $0x0  }
0xa8: {  	s4 =	sshll.u32 s28, $0x1;
	[dreg:$0x2] =	wrdreg s2  }
0xa9: {  	[dreg:$0x3] =	wrdreg s4  }
0xaa: {  	[dreg:$0x4] =	wrdreg $0xC0  }
0xab: {  	_ =	task [dreg:s6], $0x5FFFF  }
0xac: {  	[dreg:$0x1] =	wrdreg $0xFFFFFFFF  }
0xad: {  	[dreg:$0x0] =	wrdreg $0x60  }
0xae: {  	[dreg:$0x2] =	wrdreg s24  }
0xaf: {  	[dreg:$0x3] =	wrdreg $0xC0000  }
0xb0: {  	[dreg:$0x4] =	wrdreg $0x9  }
0xb1: {  	_ =	task.clear_ibuf [dreg:s6], $0x5FFFF;
	_ =	strace $0x9000004C  }
0xb2: {  	s29 =	simm.s32 $0x9;
	_ =	strace $0x8000004E  }
0xb3: {  	_ =	swait.ge [sflag:s29], $0x1  }
0xb4: {  	[sflag:s29] =	ssyncadd.s32 $0xFFFFFFFF  }
0xb5: {  	_ =	strace $0x9000004E  }
0xb6: {  	_ =	sfence  }
0xb7: {  	s30 =	sld [smem:$0x0];
	_ =	sdelay $0x2  }
0xb8: {  	s31 =	sshll.u32 s1, $0xD;
	s1 =	sshrl.u32 s1, $0x2  }
0xb9: {  	s3 =	sand.u32 $0x4000, s31;
	s1 =	sadd.s32 s1, s30  }
0xba: {  	s0 =	sor.u32 s3, s0;
	s1 =	sshll.u32 s1, $0x11  }
0xbb: {  	s0 =	sor.u32 s1, s0  }
0xbc: {  	s0 =	sadd.s32 $0x8F2B, s0  }
0xbd: {  	[sflag:s0] =	ssyncadd.remote.s32 $0x1  }
0xbe: {  	_ =	sfence.sel $0xFFFF  }
0xbf: {  	[dreg:$0x0] =	wrdreg $0xFFFFFFFF;
	(pc) =	sbr.abs _section_cstart, $3  }
0xc0: {  	[dreg:$0x1] =	wrdreg $0xFFFFFFFF  }
0xc1: {  	_ =	task.clear_ibuf [dreg:s6], $0x2FFFF;
	_ =	strace $0x9FFFFFFF  }
0xc2: {  	(tm) =	ssettm $0x7FFFFFFF  }
0xc3: {  	_ =	shalt  }
tec
execute0_lowered:
.L_overlay_start_1:
0x0: {  	(tag) =	ssettag $0x1  }
0x1: {  	s0 =	srdreg.scid  }
0x2: {  	s5 =	rddreg [dreg:$0x0];
	s6 =	sand.u32 $0x1, s0  }
0x3: {  	s0 =	stileid.u32;
	s4 =	smul.u32 $0x2C000, s6  }
0x4: {  	s2 =	rddreg [dreg:$0x1];
	s7 =	smul.u32 $0x2C00, s0  }
0x5: {  	s1 =	rddreg [dreg:$0x2];
	s3 =	simm.s32 $0x0;
	s8 =	smul.u32 $0x2800, s0  }
0x6: {  	s15 =	simm.s32 $0x80;
	s16 =	simm.s32 $0x4000;
	s26 =	smul.u32 $0x13C000, s6  }
0x7: {  	s17 =	simm.s32 $0x8000;
	s18 =	simm.s32 $0x1;
	s9 =	smul.u32 $0x13C00, s0  }
0x8: {  	s19 =	simm.s32 $0x2;
	[smem:$0x7FF] =	sst s3;
	s28 =	smul.u32 $0x4F000, s0  }
0x9: {  	s20 =	simm.s32 $0x0;
	_ =	strace $0x8000004D;
	s12 =	smul.u32 $0x28000, s6  }
0xa: {  	s11 =	ssub.s32 $0x2, s6;
	s30 =	smul.u32 $0x2780, s0;
	s31 =	sshll.u32 s0, $0x6  }
0xb: {  	s29 =	sshrl.u32 s11, $0x1;
	s4 =	sadd.s32 s7, s4;
	s8 =	sshrl.u32 s8, $0x3  }
0xc: {  	s7 =	sadd.s32 s9, s26;
	s11 =	ssub.s32 s11, s29;
	s9 =	sshrl.u32 s28, $0x2  }
0xd: {  	s4 =	sshrl.u32 s4, $0x3;
	s8 =	sadd.s32 s8, s5;
	s7 =	sshrl.u32 s7, $0x3  }
0xe: {  	s14 =	sadd.s32 s9, s2;
	s10 =	sadd.s32 s4, s5;
	s4 =	sadd.s32 $0x19200, s5  }
0xf: {  	s13 =	sadd.s32 s7, s5;
	s6 =	sadd.s32 $0x9200, s8;
	s7 =	sadd.s32 s30, s12  }
0x10: {  	s8 =	sadd.s32 $0x9480, s8;
	s12 =	simm.s32 $0x2C00;
	s14 =	sshrl.u32 s14, $0x3  }
0x11: {  	s5 =	sadd.s32 $0xE200, s10;
	s7 =	sadd.s32 s4, s7;
	s9 =	sadd.s32 $0x69200, s13  }
0x12: {  	s10 =	smax.u32 s11, $0x1;
	s11 =	simm.s32 $0x3;
	s13 =	sor.u32 $0x1C03, s31  }
.LBB2_1:
0x13: {  	[tilespmem:s3], [sflag:$0x3] =	stream.linear.gather [hbm4b:s5+s3], $0x2900, $0x38;
	[tilespmem:$0x1FC00] =	vst v63  }
0x14: {  	_ =	swait.ge [sflag:s11], $0x2900  }
0x15: {  	[sflag:s11] =	ssyncset.done $0x0  }
0x16: {  	[sflag:s11] =	ssyncadd.s32 $0xFFFFD700  }
0x17: {  	[tilespmem:s12], [sflag:$0x3] =	stream.linear.gather [hbm4b:s6+s3], $0x1400, $0x38;
	[tilespmem:$0x1FC00] =	vst v63  }
0x18: {  	_ =	swait.ge [sflag:s11], $0x1400  }
0x19: {  	[sflag:s11] =	ssyncset.done $0x0  }
0x1a: {  	[sflag:s11] =	ssyncadd.s32 $0xFFFFEC00  }
0x1b: {  	[spmem:s14], [sflag:s13] =	dma.local [hbm:s7], $0x2780  }
0x1c: {  	_ =	swait.ge [sflag:s11], $0x2780  }
0x1d: {  	[sflag:s11] =	ssyncset.done $0x0  }
0x1e: {  	[sflag:s11] =	ssyncadd.s32 $0xFFFFD880  }
0x1f: {  	[bflag:$0x0] =	sbarrier.arrive $0xFFFF  }
0x20: {  	[tilespmem:s16], [sflag:$0x1] =	stream.indirect.gather [hbm4b:s4+s15], $0x80, s3, s15, $0xb8;
	[tilespmem:$0x1FC00] =	vst v63  }
0x21: {  	_ = 	snop  }
0x22: {  	[tilespmem:s17], [sflag:$0x2] =	stream.indirect.gather [hbm4b:s4+s15], $0x80, s15, s15, $0xb8;
	[tilespmem:$0x1FC00] =	vst v63  }
0x23: {  	_ =	swait.ge [sflag:s18], $0x4000  }
0x24: {  	[sflag:s18] =	ssyncset.done $0x0  }
0x25: {  	s21 =	simm.s32 $0x2C00;
	[sflag:s18] =	ssyncadd.s32 $0xFFFFC000  }
0x26: {  	[spmem:s2] =	stream.indirect.scatter.add.f32 [tilespmem:s16], [sflag:$0x3], $0x80, s21, s15, $0xb8;
	[tilespmem:$0x1FC00] =	vst v63  }
0x27: {  	_ =	swait.ge [sflag:s11], $0x4000  }
0x28: {  	[sflag:s11] =	ssyncset.done $0x0  }
0x29: {  	s30 =	simm.s32 $0x100;
	[sflag:s11] =	ssyncadd.s32 $0xFFFFC000  }
0x2a: {  	[tilespmem:s16], [sflag:$0x1] =	stream.indirect.gather [hbm4b:s4+s15], $0x80, s30, s15, $0xb8;
	[tilespmem:$0x1FC00] =	vst v63  }
0x2b: {  	_ =	swait.ge [sflag:s19], $0x4000  }
0x2c: {  	[sflag:s19] =	ssyncset.done $0x0  }
0x2d: {  	s31 =	simm.s32 $0x2C80;
	[sflag:s19] =	ssyncadd.s32 $0xFFFFC000  }
0x2e: {  	[spmem:s2] =	stream.indirect.scatter.add.f32 [tilespmem:s17], [sflag:$0x3], $0x80, s31, s15, $0xb8;
	[tilespmem:$0x1FC00] =	vst v63  }
0x2f: {  	_ =	swait.ge [sflag:s11], $0x4000  }
0x30: {  	[sflag:s11] =	ssyncset.done $0x0  }
0x31: {  	s22 =	simm.s32 $0x180;
	s21 =	simm.s32 $0x400;
	[sflag:s11] =	ssyncadd.s32 $0xFFFFC000  }
.LBB2_2:
0x32: {  	[tilespmem:s17], [sflag:$0x2] =	stream.indirect.gather [hbm4b:s4+s15], $0x80, s22, s15, $0xb8;
	[tilespmem:$0x1FC00] =	vst v63  }
0x33: {  	s22 =	smov.u32 s21  }
0x34: {  	p0 =	sne.s32 s21, $0x4C00;
	s21 =	sadd.s32 $0x400, s21;
	_ =	swait.ge [sflag:s18], $0x4000  }
0x35: {  	s22 =	sshra.s32 s22, $0x2;
	[sflag:s18] =	ssyncset.done $0x0  }
0x36: {  	s23 =	sadd.s32 $0x2C00, s22;
	[sflag:s18] =	ssyncadd.s32 $0xFFFFC000  }
0x37: {  	[spmem:s2] =	stream.indirect.scatter.add.f32 [tilespmem:s16], [sflag:$0x3], $0x80, s23, s15, $0xb8;
	[tilespmem:$0x1FC00] =	vst v63  }
0x38: {  	_ =	swait.ge [sflag:s11], $0x4000  }
0x39: {  	[sflag:s11] =	ssyncset.done $0x0  }
0x3a: {  	s23 =	sadd.s32 $0x100, s22;
	[sflag:s11] =	ssyncadd.s32 $0xFFFFC000  }
0x3b: {  	[tilespmem:s16], [sflag:$0x1] =	stream.indirect.gather [hbm4b:s4+s15], $0x80, s23, s15, $0xb8;
	[tilespmem:$0x1FC00] =	vst v63  }
0x3c: {  	_ =	swait.ge [sflag:s19], $0x4000  }
0x3d: {  	[sflag:s19] =	ssyncset.done $0x0  }
.Ltmp0:
0x3e: {  	s23 =	sadd.s32 $0x2C80, s22;
	[sflag:s19] =	ssyncadd.s32 $0xFFFFC000;
	(pc) =	sbr.rel @p0 .LBB2_2-.Ltmp0, $4  }
0x3f: {  	[spmem:s2] =	stream.indirect.scatter.add.f32 [tilespmem:s17], [sflag:$0x3], $0x80, s23, s15, $0xb8;
	[tilespmem:$0x1FC00] =	vst v63  }
0x40: {  	_ =	swait.ge [sflag:s11], $0x4000  }
0x41: {  	[sflag:s11] =	ssyncset.done $0x0  }
0x42: {  	s22 =	sadd.s32 $0x180, s22;
	[sflag:s11] =	ssyncadd.s32 $0xFFFFC000  }
0x43: {  	[tilespmem:s17], [sflag:$0x2] =	stream.indirect.gather [hbm4b:s4+s15], $0x80, s22, s15, $0xb8;
	[tilespmem:$0x1FC00] =	vst v63  }
0x44: {  	s21 =	simm.s32 $0x0  }
0x45: {  	[tilespmem:s12], [sflag:$0x3] =	stream.linear.gather [hbm4b:s8+s21], $0x1400, $0x38;
	[tilespmem:$0x1FC00] =	vst v63  }
0x46: {  	_ =	swait.ge [sflag:s11], $0x1400  }
0x47: {  	[sflag:s11] =	ssyncset.done $0x0  }
0x48: {  	[sflag:s11] =	ssyncadd.s32 $0xFFFFEC00  }
0x49: {  	_ =	swait.ge [sflag:s18], $0x4000  }
0x4a: {  	[sflag:s18] =	ssyncset.done $0x0  }
0x4b: {  	s29 =	simm.s32 $0x2C00;
	[sflag:s18] =	ssyncadd.s32 $0xFFFFC000  }
0x4c: {  	[spmem:s2] =	stream.indirect.scatter.add.f32 [tilespmem:s16], [sflag:$0x3], $0x80, s29, s15, $0xb8;
	[tilespmem:$0x1FC00] =	vst v63  }
0x4d: {  	_ =	swait.ge [sflag:s11], $0x4000  }
0x4e: {  	[sflag:s11] =	ssyncset.done $0x0  }
0x4f: {  	s30 =	simm.s32 $0x1500;
	[sflag:s11] =	ssyncadd.s32 $0xFFFFC000  }
0x50: {  	[tilespmem:s16], [sflag:$0x1] =	stream.indirect.gather [hbm4b:s4+s15], $0x80, s30, s15, $0xb8;
	[tilespmem:$0x1FC00] =	vst v63  }
0x51: {  	_ =	swait.ge [sflag:s19], $0x4000  }
0x52: {  	[sflag:s19] =	ssyncset.done $0x0  }
0x53: {  	s31 =	simm.s32 $0x2C80;
	[sflag:s19] =	ssyncadd.s32 $0xFFFFC000  }
0x54: {  	[spmem:s2] =	stream.indirect.scatter.add.f32 [tilespmem:s17], [sflag:$0x3], $0x80, s31, s15, $0xb8;
	[tilespmem:$0x1FC00] =	vst v63  }
0x55: {  	_ =	swait.ge [sflag:s11], $0x4000  }
0x56: {  	[sflag:s11] =	ssyncset.done $0x0  }
0x57: {  	s22 =	simm.s32 $0x1580;
	s21 =	simm.s32 $0x400;
	[sflag:s11] =	ssyncadd.s32 $0xFFFFC000  }
.LBB2_4:
0x58: {  	[tilespmem:s17], [sflag:$0x2] =	stream.indirect.gather [hbm4b:s4+s15], $0x80, s22, s15, $0xb8;
	[tilespmem:$0x1FC00] =	vst v63  }
0x59: {  	s22 =	smov.u32 s21  }
0x5a: {  	p0 =	sne.s32 s21, $0x4C00;
	s21 =	sadd.s32 $0x400, s21;
	_ =	swait.ge [sflag:s18], $0x4000  }
0x5b: {  	s22 =	sshra.s32 s22, $0x2;
	[sflag:s18] =	ssyncset.done $0x0  }
0x5c: {  	s23 =	sadd.s32 $0x2C00, s22;
	[sflag:s18] =	ssyncadd.s32 $0xFFFFC000  }
0x5d: {  	[spmem:s2] =	stream.indirect.scatter.add.f32 [tilespmem:s16], [sflag:$0x3], $0x80, s23, s15, $0xb8;
	[tilespmem:$0x1FC00] =	vst v63  }
0x5e: {  	_ =	swait.ge [sflag:s11], $0x4000  }
0x5f: {  	[sflag:s11] =	ssyncset.done $0x0  }
0x60: {  	s23 =	sadd.s32 $0x1500, s22;
	[sflag:s11] =	ssyncadd.s32 $0xFFFFC000  }
0x61: {  	[tilespmem:s16], [sflag:$0x1] =	stream.indirect.gather [hbm4b:s4+s15], $0x80, s23, s15, $0xb8;
	[tilespmem:$0x1FC00] =	vst v63  }
0x62: {  	_ =	swait.ge [sflag:s19], $0x4000  }
0x63: {  	[sflag:s19] =	ssyncset.done $0x0  }
.Ltmp1:
0x64: {  	s23 =	sadd.s32 $0x2C80, s22;
	[sflag:s19] =	ssyncadd.s32 $0xFFFFC000;
	(pc) =	sbr.rel @p0 .LBB2_4-.Ltmp1, $4  }
0x65: {  	[spmem:s2] =	stream.indirect.scatter.add.f32 [tilespmem:s17], [sflag:$0x3], $0x80, s23, s15, $0xb8;
	[tilespmem:$0x1FC00] =	vst v63  }
0x66: {  	_ =	swait.ge [sflag:s11], $0x4000  }
0x67: {  	[sflag:s11] =	ssyncset.done $0x0  }
0x68: {  	s22 =	sadd.s32 $0x1580, s22;
	[sflag:s11] =	ssyncadd.s32 $0xFFFFC000  }
0x69: {  	[tilespmem:s17], [sflag:$0x2] =	stream.indirect.gather [hbm4b:s4+s15], $0x80, s22, s15, $0xb8;
	[tilespmem:$0x1FC00] =	vst v63  }
0x6a: {  	_ =	swait.ge [sflag:s18], $0x4000  }
0x6b: {  	[sflag:s18] =	ssyncset.done $0x0  }
0x6c: {  	[sflag:s18] =	ssyncadd.s32 $0xFFFFC000  }
0x6d: {  	_ =	swait.ge [sflag:s19], $0x4000  }
0x6e: {  	s20 =	sadd.s32 $0x1, s20;
	[sflag:s19] =	ssyncset.done $0x0  }
0x6f: {  	p0 =	sne.s32 s20, s10;
	[sflag:s19] =	ssyncadd.s32 $0xFFFFC000  }
.Ltmp2:
0x70: {  	[bflag:$0x0] =	sbarrier.arrive $0xFFFF;
	(pc) =	sbr.rel @p0 .LBB2_1-.Ltmp2, $4  }
0x71: {  	[hbm:s9], [sflag:s13] =	dma.local [spmem:s14], $0x2780  }
0x72: {  	_ =	swait.ge [sflag:s11], $0x2780  }
0x73: {  	[sflag:s11] =	ssyncset.done $0x0  }
0x74: {  	[sflag:s11] =	ssyncadd.s32 $0xFFFFD880  }
0x75: {  	_ =	sfence.sel $0x180000  }
0x76: {  	[bflag:$0x0] =	sbarrier.arrive $0xFFFF  }
0x77: {  	p0 =	sne.s32 s0, $0x0;
	_ =	strace $0x9000004D  }
0x78: {  	s0 =	sadd.s32 @!p0 $0x100000, s1;
	[bflag:$0x2] =	sbarrier.arrive $0xFFFF  }
0x79: {  	[sflag:s0] =	ssyncadd.tile.s32 @!p0 $0x1;
	_ =	shalt  }
.Lfunc_end2:
_tile_overlayer_lowered:
.L_overlay_start_2:
0x7a: {  	(tag) =	ssettag $0x2  }
0x7b: {  	s0 =	rddreg [dreg:$0x0];
	s2 =	stileid.u32  }
0x7c: {  	s1 =	rddreg [dreg:$0x1];
	p0 =	sne.s32 s2, $0x0  }
0x7d: {  	s3 =	rddreg [dreg:$0x2];
	[bflag:$0x3] =	sbarrier.arrive $0xFFFF;
	s2 =	simm.s32 @!p0 $0x1C03  }
0x7e: {  	[timem:s3], [sflag:s2] =	dma.local @!p0 [hbm:s0], s1  }
0x7f: {  	s0 =	simm.s32 @!p0 $0x3  }
0x80: {  	_ =	swait.ge @!p0 [sflag:s0], s1  }
0x81: {  	s1 =	ssub.s32 @!p0 $0x0, s1;
	[sflag:s0] =	ssyncset.done @!p0 $0x0  }
0x82: {  	[sflag:s0] =	ssyncadd.s32 @!p0 s1  }
0x83: {  	[bflag:$0x3] =	sbarrier.arrive $0xFFFF  }
0x84: {  	_ =	shalt  }

// kernel: kernel.8.cloned.1.call-start
scs
__scs_entry_jumppad:
0x0: {  	(pc) =	sbr.rel $0x88, $3  }
0x1: {  	(tag) =	ssettag $0x0;
	lr =	simm.s32 $0x1  }
0x2: {  	[smem:$0x3F8B] =	sst lr;
	_ =	strace $0xD0000000  }
0x3: {  	_ = 	snop  }
0x4: {  	_ = 	snop  }
0x5: {  	_ = 	snop  }
0x6: {  	_ = 	snop  }
0x7: {  	_ = 	snop  }
__scs_overlays_trampoline_lowered:
0x8: {  	[smem:$0x3F9A] =	sst s0  }
0x9: {  	[smem:$0x3F9B] =	sst s1  }
0xa: {  	[smem:$0x3F9C] =	sst s2  }
0xb: {  	[smem:$0x3F9D] =	sst s3  }
0xc: {  	[smem:$0x3F9E] =	sst s4  }
0xd: {  	[smem:$0x3F9F] =	sst s5  }
0xe: {  	[smem:$0x3FA0] =	sst s6  }
0xf: {  	[smem:$0x3FA1] =	sst s7  }
0x10: {  	[smem:$0x3FA2] =	sst s8  }
0x11: {  	[smem:$0x3FA3] =	sst s9;
	s0 =	simm.s32 @!p0 $0x0  }
0x12: {  	s1 =	sld [smem:$0x3F89];
	s0 =	simm.s32 @p0 $0x1  }
0x13: {  	[smem:$0x3FA4] =	sst s0;
	s0 =	simm.s32 @!p1 $0x0  }
0x14: {  	s2 =	sld [smem:$0x3F88];
	s0 =	simm.s32 @p1 $0x1  }
0x15: {  	[smem:$0x3FA5] =	sst s0;
	s0 =	simm.s32 @!p2 $0x0  }
0x16: {  	s3 =	sld [smem:$0x3FDB];
	s0 =	simm.s32 @p2 $0x1  }
0x17: {  	s4 =	simm.s32 $0x1BF5;
	[smem:$0x3FA7] =	sst s0  }
0x18: {  	s0 =	sld [smem:$0x3F8A];
	_ =	swait.ge [sflag:s4], $0x0  }
0x19: {  	s7 =	sld [smem:$0x3F8B]  }
0x1a: {  	s8 =	sadd.s32 $0xFFFFE003, lr  }
0x1b: {  	s9 =	sadd.s32 $0xFFFFFEF7, lr;
	s5 =	simm.s32 $0xFFFFFFFF;
	p2 =	slt.u32 s8, $0xFFFFF086  }
0x1c: {  	p1 =	slt.u32 s9, $0xF7A;
	s5 =	simm.s32 @!p2 $0x0  }
0x1d: {  	s5 =	simm.s32 @p1 $0x1;
	p0 =	seq.s32 s7, s2  }
0x1e: {  	s7 =	smul.u32 @!p0 $0xF7A, s2;
	p2 =	seq.s32 @!p0 s5, $0x0  }
0x1f: {  	s9 =	smul.u32 $0xF7A, s1;
	s8 =	simm.s32 @!p0 $0x1BF5;
	p2 =	por !p2, p0  }
0x20: {  	[sflag:s8] =	ssyncset.s32 @!p0 $0xFFFFF086;
	s6 =	sadd.s32 @!p0 s3, s7;
	s7 =	simm.s32 @!p0 $0x108  }
0x21: {  	s3 =	sadd.s32 s3, s9;
	s6 =	sadd.s32 @!p0 $0x88, s6;
	s7 =	simm.s32 @p2 $0x1082  }
0x22: {  	[simem:s7], [sflag:s8] =	dma.local @!p0 [hbm:s6], $0xF7A  }
0x23: {  	s9 =	sor.u32 $0xD0000000, s2;
	s6 =	simm.s32 $0x108;
	_ =	swait.ge @!p0 [sflag:s8], $0x0  }
0x24: {  	s3 =	sadd.s32 $0x88, s3;
	s6 =	simm.s32 @!p1 $0x1082;
	[sflag:s4] =	ssyncset.s32 $0xFFFFF086  }
0x25: {  	[simem:s6], [sflag:s4] =	dma.local [hbm:s3], $0xF7A  }
0x26: {  	[smem:$0x3F8B] =	sst s1;
	(tag) =	ssettag s2;
	_ =	strace s9  }
0x27: {  	s1 =	sld [smem:$0x3F9B]  }
0x28: {  	s2 =	sld [smem:$0x3F9C]  }
0x29: {  	s4 =	sld [smem:$0x3F9E]  }
0x2a: {  	p0 =	seq.s32 s5, $0x0;
	s5 =	sld [smem:$0x3F9F]  }
0x2b: {  	s6 =	sld [smem:$0x3FA0]  }
0x2c: {  	s7 =	sld [smem:$0x3FA1]  }
0x2d: {  	s3 =	simm.s32 $0x108;
	s8 =	sld [smem:$0x3FA2]  }
0x2e: {  	s3 =	simm.s32 @!p0 $0x1082;
	s9 =	sld [smem:$0x3FA3]  }
0x2f: {  	lr =	sadd.s32 s0, s3;
	s0 =	sld [smem:$0x3F9A]  }
0x30: {  	s3 =	sld [smem:$0x3F9D]  }
0x31: {  	[smem:$0x3FA6] =	sst s10  }
0x32: {  	s10 =	sld [smem:$0x3FA4];
	_ =	sdelay $0x3  }
0x33: {  	p0 =	seq.s32 s10, $0x1;
	s10 =	sld [smem:$0x3FA6];
	_ =	sdelay $0x3  }
0x34: {  	[smem:$0x3FA6] =	sst s10  }
0x35: {  	s10 =	sld [smem:$0x3FA5];
	_ =	sdelay $0x3  }
0x36: {  	p1 =	seq.s32 s10, $0x1;
	s10 =	sld [smem:$0x3FA6];
	_ =	sdelay $0x3  }
0x37: {  	[smem:$0x3FA6] =	sst s10  }
0x38: {  	s10 =	sld [smem:$0x3FA7]  }
0x39: {  	_ = 	snop;
	(pc) =	sbr.ind lr, $3  }
0x3a: {  	_ = 	snop  }
0x3b: {  	_ = 	snop  }
0x3c: {  	p2 =	seq.s32 s10, $0x1;
	s10 =	sld [smem:$0x3FA6]  }
0x3d: {  	_ =	shalt  }
0x3e: {  	_ =	shalt  }
0x3f: {  	_ =	shalt  }
0x40: {  	_ =	shalt  }
0x41: {  	_ =	shalt  }
0x42: {  	_ =	shalt  }
0x43: {  	_ =	shalt  }
0x44: {  	_ =	shalt  }
0x45: {  	_ =	shalt  }
0x46: {  	_ =	shalt  }
0x47: {  	_ =	shalt  }
0x48: {  	_ =	shalt  }
0x49: {  	_ =	shalt  }
0x4a: {  	_ =	shalt  }
0x4b: {  	_ =	shalt  }
0x4c: {  	_ =	shalt  }
0x4d: {  	_ =	shalt  }
0x4e: {  	_ =	shalt  }
0x4f: {  	_ =	shalt  }
0x50: {  	_ =	shalt  }
0x51: {  	_ =	shalt  }
0x52: {  	_ =	shalt  }
0x53: {  	_ =	shalt  }
0x54: {  	_ =	shalt  }
0x55: {  	_ =	shalt  }
0x56: {  	_ =	shalt  }
0x57: {  	_ =	shalt  }
0x58: {  	_ =	shalt  }
0x59: {  	_ =	shalt  }
0x5a: {  	_ =	shalt  }
0x5b: {  	_ =	shalt  }
0x5c: {  	_ =	shalt  }
0x5d: {  	_ =	shalt  }
0x5e: {  	_ =	shalt  }
0x5f: {  	_ =	shalt  }
0x60: {  	_ =	shalt  }
0x61: {  	_ =	shalt  }
0x62: {  	_ =	shalt  }
0x63: {  	_ =	shalt  }
0x64: {  	_ =	shalt  }
0x65: {  	_ =	shalt  }
0x66: {  	_ =	shalt  }
0x67: {  	_ =	shalt  }
0x68: {  	_ =	shalt  }
0x69: {  	_ =	shalt  }
0x6a: {  	_ =	shalt  }
0x6b: {  	_ =	shalt  }
0x6c: {  	_ =	shalt  }
0x6d: {  	_ =	shalt  }
0x6e: {  	_ =	shalt  }
0x6f: {  	_ =	shalt  }
0x70: {  	_ =	shalt  }
0x71: {  	_ =	shalt  }
0x72: {  	_ =	shalt  }
0x73: {  	_ =	shalt  }
0x74: {  	_ =	shalt  }
0x75: {  	_ =	shalt  }
0x76: {  	_ =	shalt  }
0x77: {  	_ =	shalt  }
0x78: {  	_ =	shalt  }
0x79: {  	_ =	shalt  }
0x7a: {  	_ =	shalt  }
0x7b: {  	_ =	shalt  }
0x7c: {  	_ =	shalt  }
0x7d: {  	_ =	shalt  }
0x7e: {  	_ =	shalt  }
0x7f: {  	_ =	shalt  }
0x80: {  	_ =	shalt  }
0x81: {  	_ =	shalt  }
0x82: {  	_ =	shalt  }
0x83: {  	_ =	shalt  }
0x84: {  	_ =	shalt  }
0x85: {  	_ =	shalt  }
0x86: {  	_ =	shalt  }
0x87: {  	_ =	shalt  }
.Lfunc_end0:
.L_simem_size_0:
called_computation_lowered:
.L_overlay_start_0:
0x88: {  	s2 =	sld [smem:$0x3FD9]  }
0x89: {  	s3 =	sld [smem:$0x3FFE];
	_ =	sdelay $0x1  }
0x8a: {  	s1 =	srdreg.scid  }
0x8b: {  	s0 =	sand.u32 $0x1, s1  }
0x8c: {  	s16 =	sshll.u32 s0, $0xA;
	s2 =	sadd.s32 s3, s2  }
0x8d: {  	s2 =	sadd.s32 s2, s16  }
0x8e: {  	[smem:$0x3FB2] =	sst s2  }
0x8f: {  	_ = 	snop  }
0x90: {  	(tm) =	ssettm $0x1  }
0x91: {  	s17 =	sld [smem:$0x3FFB];
	_ =	sdelay $0x3  }
0x92: {  	_ =	strace s17  }
0x93: {  	s2 =	sld [smem:$0x3FFC];
	_ =	sdelay $0x3  }
0x94: {  	_ =	strace s2  }
0x95: {  	s2 =	sld [smem:$0x3FFD];
	_ =	sdelay $0x3  }
0x96: {  	_ =	strace s2  }
0x97: {  	_ =	strace $0x8FFFFFFF  }
0x98: {  	s18 =	sld [smem:$0x3FDB];
	_ =	sdelay $0x1  }
0x99: {  	s19 =	simm.s32 $_scs_section_size  }
0x9a: {  	s4 =	simm.s32 $_size__tile_overlayer_lowered;
	s5 =	simm.s32 $_tile_overlayer_lowered  }
0x9b: {  	s22 =	simm.s32 $0x1BFF;
	s21 =	sshll.u32 s5, $0x1;
	s2 =	sadd.s32 s19, s18  }
0x9c: {  	s6 =	simm.s32 $0x0;
	s20 =	sshll.u32 s4, $0x1;
	s4 =	sadd.s32 s21, s2  }
0x9d: {  	[timem:s6], [sflag:s22] =	dma.local [hbm:s4], s20  }
0x9e: {  	_ =	swait.ge [sflag:s22], s20  }
0x9f: {  	s3 =	ssub.s32 $0x0, s20;
	[sflag:s22] =	ssyncset.done $0x0  }
0xa0: {  	[sflag:s22] =	ssyncadd.s32 s3;
	_ =	sdelay $0x1  }
0xa1: {  	s23 =	simm.s32 $0x1B8B  }
0xa2: {  	_ =	swait.ge [sflag:s23], $0x1  }
0xa3: {  	[sflag:s23] =	ssyncset.done $0x0  }
0xa4: {  	s25 =	simm.s32 $0x1B8E;
	s24 =	sld [smem:$0x3FFE];
	[sflag:s23] =	ssyncadd.s32 $0xFFFFFFFF  }
0xa5: {  	s26 =	simm.s32 $execute0_lowered;
	[smem:$0x3FD2] =	sst s25  }
0xa6: {  	s4 =	sshll.u32 s26, $0x1;
	_ =	strace $0x80000046;
	[dreg:$0x1] =	wrdreg $0xFFFFFFFF  }
0xa7: {  	s28 =	simm.s32 $_size_execute0_lowered;
	s2 =	sadd.s32 s2, s4;
	[dreg:$0x0] =	wrdreg $0x0  }
0xa8: {  	s4 =	sshll.u32 s28, $0x1;
	[dreg:$0x2] =	wrdreg s2  }
0xa9: {  	[dreg:$0x3] =	wrdreg s4  }
0xaa: {  	[dreg:$0x4] =	wrdreg $0xC0  }
0xab: {  	_ =	task [dreg:s6], $0x5FFFF  }
0xac: {  	[dreg:$0x1] =	wrdreg $0xFFFFFFFF  }
0xad: {  	[dreg:$0x0] =	wrdreg $0x60  }
0xae: {  	[dreg:$0x2] =	wrdreg s24  }
0xaf: {  	[dreg:$0x3] =	wrdreg $0x14800  }
0xb0: {  	[dreg:$0x4] =	wrdreg $0x9  }
0xb1: {  	_ =	task.clear_ibuf [dreg:s6], $0x5FFFF;
	_ =	strace $0x90000046  }
0xb2: {  	s29 =	simm.s32 $0x9;
	_ =	strace $0x80000048  }
0xb3: {  	_ =	swait.ge [sflag:s29], $0x1  }
0xb4: {  	[sflag:s29] =	ssyncadd.s32 $0xFFFFFFFF  }
0xb5: {  	_ =	strace $0x90000048  }
0xb6: {  	_ =	sfence  }
0xb7: {  	s30 =	sld [smem:$0x0];
	_ =	sdelay $0x2  }
0xb8: {  	s31 =	sshll.u32 s1, $0xD;
	s1 =	sshrl.u32 s1, $0x2  }
0xb9: {  	s3 =	sand.u32 $0x4000, s31;
	s1 =	sadd.s32 s1, s30  }
0xba: {  	s0 =	sor.u32 s3, s0;
	s1 =	sshll.u32 s1, $0x11  }
0xbb: {  	s0 =	sor.u32 s1, s0  }
0xbc: {  	s0 =	sadd.s32 $0x8F2B, s0  }
0xbd: {  	[sflag:s0] =	ssyncadd.remote.s32 $0x1  }
0xbe: {  	_ =	sfence.sel $0xFFFF  }
0xbf: {  	[dreg:$0x0] =	wrdreg $0xFFFFFFFF;
	(pc) =	sbr.abs _section_cstart, $3  }
0xc0: {  	[dreg:$0x1] =	wrdreg $0xFFFFFFFF  }
0xc1: {  	_ =	task.clear_ibuf [dreg:s6], $0x2FFFF;
	_ =	strace $0x9FFFFFFF  }
0xc2: {  	(tm) =	ssettm $0x7FFFFFFF  }
0xc3: {  	_ =	shalt  }
tec
execute0_lowered:
.L_overlay_start_1:
0x0: {  	(tag) =	ssettag $0x1  }
0x1: {  	s1 =	srdreg.scid;
	s5 =	rddreg [dreg:$0x0]  }
0x2: {  	s0 =	stileid.u32;
	s2 =	rddreg [dreg:$0x1];
	s3 =	simm.s32 $0x0  }
0x3: {  	s13 =	simm.s32 $0x80;
	s14 =	simm.s32 $0x20;
	s15 =	simm.s32 $0x10  }
0x4: {  	s16 =	simm.s32 $0x0;
	s4 =	sand.u32 $0x1, s1;
	s1 =	rddreg [dreg:$0x2]  }
0x5: {  	s29 =	sshll.u32 s0, $0x1;
	[smem:$0x7FF] =	sst s3;
	s7 =	smul.u32 $0x500, s0  }
0x6: {  	s10 =	smul.u32 $0x280, s0;
	s11 =	sshll.u32 s0, $0x6;
	s6 =	sor.u32 s4, s29  }
0x7: {  	_ =	strace $0x80000047;
	s8 =	sshll.u32 s4, $0x7;
	s30 =	ssub.s32 $0x2, s4  }
0x8: {  	s4 =	sadd.s32 $0x8200, s5;
	s11 =	sor.u32 $0x1C01, s11;
	s6 =	smul.u32 $0x280, s6  }
0x9: {  	s7 =	sor.u32 s8, s7;
	s9 =	sshrl.u32 s30, $0x1;
	s12 =	sadd.s32 s10, s2  }
0xa: {  	s31 =	sshrl.u32 s10, $0x3;
	s10 =	simm.s32 $0x1400;
	s7 =	sshrl.u32 s7, $0x3  }
0xb: {  	s8 =	ssub.s32 s30, s9;
	s9 =	simm.s32 $0x1;
	s12 =	sshrl.u32 s12, $0x3  }
0xc: {  	s6 =	sadd.s32 s6, s5;
	s7 =	sadd.s32 s7, s5;
	s8 =	smax.u32 s8, $0x1  }
0xd: {  	s5 =	sadd.s32 $0x3200, s6;
	s6 =	sadd.s32 s4, s31;
	s7 =	sadd.s32 $0x8800, s7  }
.LBB2_1:
0xe: {  	[tilespmem:s3], [sflag:$0x1] =	stream.linear.gather [hbm4b:s5+s3], $0x1400, $0x38;
	[tilespmem:$0x1700] =	vst v63  }
0xf: {  	_ =	swait.ge [sflag:s9], $0x1400  }
0x10: {  	[sflag:s9] =	ssyncset.done $0x0  }
0x11: {  	[sflag:s9] =	ssyncadd.s32 $0xFFFFEC00  }
0x12: {  	[tilespmem:s10], [sflag:$0x1] =	stream.linear.gather [hbm4b:s4+s3], $0x80, $0x38;
	[tilespmem:$0x1700] =	vst v63  }
0x13: {  	_ =	swait.ge [sflag:s9], $0x80  }
0x14: {  	[sflag:s9] =	ssyncset.done $0x0  }
0x15: {  	[sflag:s9] =	ssyncadd.s32 $0xFFFFFF80  }
0x16: {  	[spmem:s12], [sflag:s11] =	dma.local [hbm:s6], $0x50  }
0x17: {  	_ =	swait.ge [sflag:s9], $0x50  }
0x18: {  	[sflag:s9] =	ssyncset.done $0x0  }
0x19: {  	[sflag:s9] =	ssyncadd.s32 $0xFFFFFFB0  }
0x1a: {  	s17 =	simm.s32 $0x0;
	[bflag:$0x0] =	sbarrier.arrive $0xFFFF  }
0x1b: {  	[spmem:s2] =	stream.indirect.scatter.add.f32 [tilespmem:s10], [sflag:$0x1], $0x1, s17, s13, $0xb8;
	[tilespmem:$0x1700] =	vst v63  }
0x1c: {  	_ =	swait.ge [sflag:s9], $0x80  }
0x1d: {  	s17 =	simm.s32 $0x200;
	[sflag:s9] =	ssyncset.done $0x0  }
.LBB2_2:
0x1e: {  	s18 =	sshra.s32 s17, $0x2;
	[sflag:s9] =	ssyncadd.s32 $0xFFFFFF80;
	p0 =	sne.s32 s17, $0x4E00  }
0x1f: {  	[spmem:s2] =	stream.indirect.scatter.add.f32 [tilespmem:s10], [sflag:$0x1], $0x1, s18, s13, $0xb8;
	[tilespmem:$0x1700] =	vst v63  }
.Ltmp0:
0x20: {  	_ = 	snop;
	(pc) =	sbr.rel @p0 .LBB2_2-.Ltmp0, $4  }
0x21: {  	_ = 	snop  }
0x22: {  	s17 =	sadd.s32 $0x200, s17  }
0x23: {  	_ =	swait.ge [sflag:s9], $0x80  }
0x24: {  	[sflag:s9] =	ssyncset.done $0x0  }
0x25: {  	s16 =	sadd.s32 $0x1, s16  }
0x26: {  	[sflag:s9] =	ssyncadd.s32 $0xFFFFFF80;
	p0 =	sne.s32 s16, s8  }
.Ltmp1:
0x27: {  	[bflag:$0x0] =	sbarrier.arrive $0xFFFF;
	(pc) =	sbr.rel @p0 .LBB2_1-.Ltmp1, $4  }
0x28: {  	[hbm:s7@s14], [sflag:s11] =	dma.strided [spmem:s12@s15], $0x50, s9, $0x10   }
0x29: {  	_ =	swait.ge [sflag:s9], $0x50  }
0x2a: {  	[sflag:s9] =	ssyncset.done $0x0  }
0x2b: {  	[sflag:s9] =	ssyncadd.s32 $0xFFFFFFB0  }
0x2c: {  	_ =	sfence.sel $0x180000  }
0x2d: {  	[bflag:$0x0] =	sbarrier.arrive $0xFFFF  }
0x2e: {  	p0 =	sne.s32 s0, $0x0;
	_ =	strace $0x90000047  }
0x2f: {  	s0 =	sadd.s32 @!p0 $0x100000, s1;
	[bflag:$0x2] =	sbarrier.arrive $0xFFFF  }
0x30: {  	[sflag:s0] =	ssyncadd.tile.s32 @!p0 $0x1;
	_ =	shalt  }
.Lfunc_end2:
_tile_overlayer_lowered:
.L_overlay_start_2:
0x31: {  	(tag) =	ssettag $0x2  }
0x32: {  	s0 =	rddreg [dreg:$0x0];
	s2 =	stileid.u32  }
0x33: {  	s1 =	rddreg [dreg:$0x1];
	p0 =	sne.s32 s2, $0x0  }
0x34: {  	s3 =	rddreg [dreg:$0x2];
	[bflag:$0x3] =	sbarrier.arrive $0xFFFF;
	s2 =	simm.s32 @!p0 $0x1C01  }
0x35: {  	[timem:s3], [sflag:s2] =	dma.local @!p0 [hbm:s0], s1  }
0x36: {  	s0 =	simm.s32 @!p0 $0x1  }
0x37: {  	_ =	swait.ge @!p0 [sflag:s0], s1  }
0x38: {  	s1 =	ssub.s32 @!p0 $0x0, s1;
	[sflag:s0] =	ssyncset.done @!p0 $0x0  }
0x39: {  	[sflag:s0] =	ssyncadd.s32 @!p0 s1  }
0x3a: {  	[bflag:$0x3] =	sbarrier.arrive $0xFFFF  }
0x3b: {  	_ =	shalt  }

</sc_bundles>
